<compile_context>
chip_gen: v7x
topology: tpu7x:2x2x1
jax: 0.10.2.dev20260603
libtpu: 0.0.44.dev20260713+nightly
codegen_flags: <defaults>
</compile_context>

<pallas_src>
import functools

import jax
import jax.numpy as jnp
from jax.experimental import pallas as pl

_NSYM = 256
_BLK = 512


def _fold_body(n, ia_ref, ib_ref, tab_t_ref, lut_t_ref, out_ref):
    iota = jax.lax.broadcasted_iota(jnp.int32, (_NSYM, _BLK), 0)
    iota_f = iota.astype(jnp.float32)

    def gather2(t_ref, a, b_onehot_f):
        g = jnp.dot(t_ref[...], (iota == a).astype(jnp.bfloat16),
                    preferred_element_type=jnp.float32)
        return jnp.sum(g * b_onehot_f, axis=0, keepdims=True)

    def hist(j, cum):
        a = ia_ref[pl.ds(j, 1), :]
        b = ib_ref[pl.ds(j, 1), :]
        x = gather2(tab_t_ref, a, (iota == b).astype(jnp.float32))
        return cum + (iota_f >= x).astype(jnp.float32)

    cum = jax.lax.fori_loop(0, n, hist, jnp.zeros((_NSYM, _BLK), jnp.float32))

    def rank(i):
        return jnp.sum((cum <= i).astype(jnp.float32), axis=0, keepdims=True)

    tmp = rank(0.0)

    def step(j, tmp):
        p = rank(j.astype(jnp.float32))
        tmp = gather2(lut_t_ref, p.astype(jnp.int32),
                      (iota_f == tmp).astype(jnp.float32))
        return tmp

    tmp = jax.lax.fori_loop(1, n, step, tmp)
    out_ref[0, :, :] = tmp


def _lut_fold_pallas(idx_a, idx_b, tab_t, add_t):
    r, n = idx_a.shape
    n8 = (n + 7) // 8 * 8
    rp = (r + _BLK - 1) // _BLK * _BLK
    nb = rp // _BLK
    pad = lambda x: jnp.zeros((n8, rp), jnp.int32).at[:n, :r].set(x.T)
    out = pl.pallas_call(
        functools.partial(_fold_body, n),
        grid=(nb,),
        in_specs=[
            pl.BlockSpec((n8, _BLK), lambda i: (0, i)),
            pl.BlockSpec((n8, _BLK), lambda i: (0, i)),
            pl.BlockSpec((_NSYM, _NSYM), lambda i: (0, 0)),
            pl.BlockSpec((_NSYM, _NSYM), lambda i: (0, 0)),
        ],
        out_specs=pl.BlockSpec((1, 1, _BLK), lambda i: (i, 0, 0)),
        out_shape=jax.ShapeDtypeStruct((nb, 1, _BLK), jnp.float32),
    )(pad(idx_a), pad(idx_b), tab_t, add_t)
    return out.reshape(rp)[:r].astype(jnp.int32)


def _windows(arr, k, s):
    g = arr.shape[0]
    c = arr.shape[2]
    o = (g - k) // s + 1
    rows = (jnp.arange(o) * s)[:, None] + jnp.arange(k)[None, :]
    w = arr[rows][:, :, rows]
    w = jnp.transpose(w, (0, 2, 1, 3, 4))
    return w.reshape(o * o, k * k * c), o


def _discretize(img, centroids):
    win, o = _windows(img[:, :, None], 4, 1)
    d = ((win[:, None, :] - centroids[None, :, :]) ** 2).sum(-1)
    return jnp.argmin(d, axis=-1).reshape(o, o)


def kernel(x_bat, centroids, centroid_lut, fc3_w, fc3_b, conv_lut, add_lut,
           fc_lut, relu_lut, w0, w1, w2, w3, b_c1, b_c2, b_f1, b_f2):
    b = x_bat.shape[0]
    add_t = add_lut.T.astype(jnp.bfloat16)
    conv_t = conv_lut.T.astype(jnp.bfloat16)
    fc_t = fc_lut.T.astype(jnp.bfloat16)

    def conv_stage(sym_b, ker, bias_lut):
        o = (sym_b.shape[1] - 5) // 2 + 1
        win = jax.vmap(lambda s: _windows(s, 5, 2)[0])(sym_b)
        out_ch = ker.shape[1]
        n = win.shape[-1]
        ia = jnp.broadcast_to(win[:, :, None, :], (b, o * o, out_ch, n))
        ib = jnp.broadcast_to(ker.T[None, None, :, :], (b, o * o, out_ch, n))
        tmp = _lut_fold_pallas(ia.reshape(-1, n), ib.reshape(-1, n),
                               conv_t, add_t).reshape(b, o * o, out_ch)
        h = bias_lut[tmp, jnp.arange(out_ch)[None, None, :]]
        return relu_lut[h].reshape(b, o, o, out_ch)

    def fc_stage(x, w, bias_lut):
        out, n = w.shape
        ia = jnp.broadcast_to(x[:, None, :], (b, out, n))
        ib = jnp.broadcast_to(w[None, :, :], (b, out, n))
        f = _lut_fold_pallas(ia.reshape(-1, n), ib.reshape(-1, n),
                             fc_t, add_t).reshape(b, out)
        return relu_lut[bias_lut[f, jnp.arange(out)[None, :]]]

    sym = jax.vmap(lambda im: _discretize(im[0], centroids))(x_bat)

    h = conv_stage(sym[:, :, :, None], w0, b_c1)
    h = conv_stage(h, w1, b_c2)
    flat = jnp.transpose(h, (0, 3, 1, 2)).reshape(b, -1)
    f = fc_stage(flat, w2, b_f1)
    f = fc_stage(f, w3, b_f2)

    feats = centroid_lut[f]
    logits = feats @ fc3_w.T + fc3_b
    return jax.nn.softmax(logits, axis=1)

# --- scband reference (transcript-rebuilt; emitter-appended) ---
"""Pipeline reference for scband-cnn-le-net-sym-40089224741233 (READ-ONLY COPY).

The authoritative reference and input builder live on the scoring server;
editing this copy changes nothing except your own understanding.
"""

import jax, jax.numpy as jnp
import numpy as np

N_SYM = 256
B = 32


def _windows(arr, k, s):
    G = arr.shape[0]
    C = arr.shape[2]
    O = (G - k) // s + 1
    rows = (jnp.arange(O) * s)[:, None] + jnp.arange(k)[None, :]
    w = arr[rows][:, :, rows]
    w = jnp.transpose(w, (0, 2, 1, 3, 4))
    return w.reshape(O * O, k * k * C), O


def _lut_fold(parts, add_lut):
    parts = jnp.sort(parts, axis=-1)
    tmp = parts[..., 0]
    rest = jnp.moveaxis(parts[..., 1:], -1, 0)
    def step(t, p):
        return add_lut[p, t], None
    tmp, _ = jax.lax.scan(step, tmp, rest)
    return tmp


def _sym_conv(sym, ker, conv_lut, add_lut, bias_lut, k=5, s=2):
    if sym.ndim == 2:
        sym = sym[:, :, None]
    win, O = _windows(sym, k, s)
    out_ch = ker.shape[1]
    parts = conv_lut[win[:, None, :], ker.T[None, :, :]]
    tmp = _lut_fold(parts, add_lut)
    out = bias_lut[tmp, jnp.arange(out_ch)[None, :]]
    return out.reshape(O, O, out_ch)


def _sym_fc(x, W, fc_lut, add_lut, bias_lut):
    parts = fc_lut[x[None, :], W]
    tmp = _lut_fold(parts, add_lut)
    return bias_lut[tmp, jnp.arange(W.shape[0])]


def _discretize(img, centroids):
    win, O = _windows(img[:, :, None], 4, 1)
    d = ((win[:, None, :] - centroids[None, :, :]) ** 2).sum(-1)
    return jnp.argmin(d, axis=-1).reshape(O, O)


def setup_inputs(seed: int = 0):
    key = jax.random.key(seed)
    ks = jax.random.split(key, 18)
    ri = lambda k, shape: jax.random.randint(k, shape, 0, N_SYM, dtype=jnp.int32)
    return {
        "x_bat": jax.random.normal(ks[0], (B, 1, 32, 32), dtype=jnp.float32),
        "centroids": jax.random.normal(ks[1], (N_SYM, 16), dtype=jnp.float32),
        "centroid_lut": jax.random.normal(ks[2], (N_SYM,), dtype=jnp.float32),
        "fc3_w": jax.random.normal(ks[3], (10, 84), dtype=jnp.float32) * 0.1,
        "fc3_b": jax.random.normal(ks[4], (10,), dtype=jnp.float32) * 0.1,
        "conv_lut": ri(ks[5], (N_SYM, N_SYM)),
        "add_lut": ri(ks[6], (N_SYM, N_SYM)),
        "fc_lut": ri(ks[7], (N_SYM, N_SYM)),
        "relu_lut": ri(ks[8], (N_SYM,)),
        "w0": ri(ks[9], (25, 6)),
        "w1": ri(ks[10], (150, 16)),
        "w2": ri(ks[11], (120, 400)),
        "w3": ri(ks[12], (84, 120)),
        "b_c1": ri(ks[13], (N_SYM, 6)),
        "b_c2": ri(ks[14], (N_SYM, 16)),
        "b_f1": ri(ks[15], (N_SYM, 120)),
        "b_f2": ri(ks[16], (N_SYM, 84)),
    }


def reference(x_bat, centroids, centroid_lut, fc3_w, fc3_b, conv_lut, add_lut, fc_lut, relu_lut, w0, w1, w2, w3, b_c1, b_c2, b_f1, b_f2):
    def per_image(img):
        sym = _discretize(img[0], centroids)
        h = _sym_conv(sym, w0, conv_lut, add_lut, b_c1)
        h = relu_lut[h]
        h = _sym_conv(h, w1, conv_lut, add_lut, b_c2)
        h = relu_lut[h]
        flat = jnp.transpose(h, (2, 0, 1)).reshape(-1)
        f = _sym_fc(flat, w2, fc_lut, add_lut, b_f1)
        f = relu_lut[f]
        f = _sym_fc(f, w3, fc_lut, add_lut, b_f2)
        f = relu_lut[f]
        return centroid_lut[f]
    feats = jax.vmap(per_image)(x_bat)
    logits = feats @ fc3_w.T + fc3_b
    return jax.nn.softmax(logits, axis=1)

if __name__ == "__main__":
    import jax
    _d = setup_inputs()
    print(jax.jit(kernel)(*tuple(_d.values())))

</pallas_src>

<mosaic_0001>
module attributes {stable_mosaic.version = 14 : i64} {
  func.func @_fold_body(%arg0: i32, %arg1: memref<32x512xi32, #tpu.memory_space<vmem>>, %arg2: memref<32x512xi32, #tpu.memory_space<vmem>>, %arg3: memref<256x256xbf16, #tpu.memory_space<vmem>>, %arg4: memref<256x256xbf16, #tpu.memory_space<vmem>>, %arg5: memref<1x1x512xf32, #tpu.memory_space<vmem>>) attributes {dimension_semantics = [#tpu.dimension_semantics<arbitrary>], iteration_bounds = array<i64: 64>, scalar_prefetch = 0 : i64, scratch_operands = 0 : i64, tpu.core_type = #tpu.core_type<tc>, window_params = [{transform_indices = @transform_0, window_bounds = array<i64: 32, 512>}, {transform_indices = @transform_1, window_bounds = array<i64: 32, 512>}, {pipeline_mode = #tpu.pipeline_mode<synchronous>, transform_indices = @transform_2, window_bounds = array<i64: 256, 256>}, {pipeline_mode = #tpu.pipeline_mode<synchronous>, transform_indices = @transform_3, window_bounds = array<i64: 256, 256>}, {transform_indices = @transform_4, window_bounds = array<i64: 1, 1, 512>}]} {
    %iota3A = tpu.iota {dimensions = array<i32: 0>} : vector<256x512xi32>
    %convert_element_type3A = arith.sitofp %iota3A : vector<256x512xi32> to vector<256x512xf32>
    %broadcast_in_dim3A = arith.constant 0.000000e+00 : f32
    %broadcast_in_dim3A_0 = vector.broadcast %broadcast_in_dim3A : f32 to vector<256x512xf32>
    %scan3A = arith.constant 0 : i32
    %scan3A_1 = arith.constant 25 : i32
    %scan3A_2 = arith.addi %scan3A, %scan3A_1 : i32
    %scan3A_3 = arith.constant 1 : i32
    %scan3A_4 = scf.for %scan3A_23 = %scan3A to %scan3A_2 step %scan3A_3 iter_args(%scan3A_24 = %broadcast_in_dim3A_0) -> (vector<256x512xf32>)  : i32 {
      %get3A = arith.index_cast %scan3A_23 : i32 to index
      %get3A_25 = arith.constant 0 : index
      %get3A_26 = vector.load %arg1[%get3A, %get3A_25] : memref<32x512xi32, #tpu.memory_space<vmem>>, vector<1x512xi32>
      %get3A_27 = arith.index_cast %scan3A_23 : i32 to index
      %get3A_28 = arith.constant 0 : index
      %get3A_29 = vector.load %arg2[%get3A_27, %get3A_28] : memref<32x512xi32, #tpu.memory_space<vmem>>, vector<1x512xi32>
      %eq3A = vector.broadcast %get3A_29 : vector<1x512xi32> to vector<256x512xi32>
      %eq3A_30 = arith.cmpi eq, %iota3A, %eq3A : vector<256x512xi32>
      %convert_element_type3A_31 = arith.extui %eq3A_30 : vector<256x512xi1> to vector<256x512xi32>
      %convert_element_type3A_32 = arith.sitofp %convert_element_type3A_31 : vector<256x512xi32> to vector<256x512xf32>
      %get3A_33 = arith.constant 0 : index
      %get3A_34 = arith.constant 0 : index
      %get3A_35 = vector.load %arg3[%get3A_33, %get3A_34] : memref<256x256xbf16, #tpu.memory_space<vmem>>, vector<256x256xbf16>
      %eq3A_36 = vector.broadcast %get3A_26 : vector<1x512xi32> to vector<256x512xi32>
      %eq3A_37 = arith.cmpi eq, %iota3A, %eq3A_36 : vector<256x512xi32>
      %convert_element_type3A_38 = arith.extui %eq3A_37 : vector<256x512xi1> to vector<256x512xi32>
      %convert_element_type3A_39 = arith.sitofp %convert_element_type3A_38 : vector<256x512xi32> to vector<256x512xf32>
      %convert_element_type3A_40 = arith.truncf %convert_element_type3A_39 : vector<256x512xf32> to vector<256x512xbf16>
      %dot_general3A = arith.constant dense<0.000000e+00> : vector<256x512xf32>
      %dot_general3A_41 = tpu.matmul %get3A_35, %convert_element_type3A_40, %dot_general3A {dimension_numbers = #tpu.dot_dimension_numbers<[1], [0], [0], [1], [0, 0, 1, 1], [], []>, transpose_lhs_hint = false} : vector<256x256xbf16>, vector<256x512xbf16>, vector<256x512xf32> -> vector<256x512xf32>
      %mul3A = arith.mulf %dot_general3A_41, %convert_element_type3A_32 : vector<256x512xf32>
      %reduce_sum3A_42 = arith.constant dense<0.000000e+00> : vector<512xf32>
      %reduce_sum3A_43 = vector.multi_reduction <add>, %mul3A, %reduce_sum3A_42 [0] : vector<256x512xf32> to vector<512xf32>
      %broadcast_in_dim3A_44 = vector.shape_cast %reduce_sum3A_43 : vector<512xf32> to vector<1x512xf32>
      %ge3A = vector.broadcast %broadcast_in_dim3A_44 : vector<1x512xf32> to vector<256x512xf32>
      %ge3A_45 = arith.cmpf oge, %convert_element_type3A, %ge3A : vector<256x512xf32>
      %convert_element_type3A_46 = arith.extui %ge3A_45 : vector<256x512xi1> to vector<256x512xi32>
      %convert_element_type3A_47 = arith.sitofp %convert_element_type3A_46 : vector<256x512xi32> to vector<256x512xf32>
      %add3A = arith.addf %scan3A_24, %convert_element_type3A_47 : vector<256x512xf32>
      scf.yield %add3A : vector<256x512xf32>
    }
    %scan3A_5 = arith.constant 25 : i32
    %le3A = arith.constant 0.000000e+00 : f32
    %le3A_6 = vector.broadcast %le3A : f32 to vector<256x512xf32>
    %le3A_7 = arith.cmpf ole, %scan3A_4, %le3A_6 : vector<256x512xf32>
    %convert_element_type3A_8 = arith.extui %le3A_7 : vector<256x512xi1> to vector<256x512xi32>
    %convert_element_type3A_9 = arith.sitofp %convert_element_type3A_8 : vector<256x512xi32> to vector<256x512xf32>
    %reduce_sum3A = arith.constant dense<0.000000e+00> : vector<512xf32>
    %reduce_sum3A_10 = vector.multi_reduction <add>, %convert_element_type3A_9, %reduce_sum3A [0] : vector<256x512xf32> to vector<512xf32>
    %broadcast_in_dim3A_11 = vector.shape_cast %reduce_sum3A_10 : vector<512xf32> to vector<1x512xf32>
    %scan3A_12 = arith.constant 1 : i32
    %scan3A_13 = arith.constant 24 : i32
    %scan3A_14 = arith.addi %scan3A_12, %scan3A_13 : i32
    %scan3A_15 = arith.constant 1 : i32
    %scan3A_16 = scf.for %scan3A_23 = %scan3A_12 to %scan3A_14 step %scan3A_15 iter_args(%scan3A_24 = %broadcast_in_dim3A_11) -> (vector<1x512xf32>)  : i32 {
      %convert_element_type3A_25 = arith.sitofp %scan3A_23 : i32 to f32
      %le3A_26 = vector.broadcast %convert_element_type3A_25 : f32 to vector<256x512xf32>
      %le3A_27 = arith.cmpf ole, %scan3A_4, %le3A_26 : vector<256x512xf32>
      %convert_element_type3A_28 = arith.extui %le3A_27 : vector<256x512xi1> to vector<256x512xi32>
      %convert_element_type3A_29 = arith.sitofp %convert_element_type3A_28 : vector<256x512xi32> to vector<256x512xf32>
      %reduce_sum3A_30 = arith.constant dense<0.000000e+00> : vector<512xf32>
      %reduce_sum3A_31 = vector.multi_reduction <add>, %convert_element_type3A_29, %reduce_sum3A_30 [0] : vector<256x512xf32> to vector<512xf32>
      %broadcast_in_dim3A_32 = vector.shape_cast %reduce_sum3A_31 : vector<512xf32> to vector<1x512xf32>
      %convert_element_type3A_33 = arith.fptosi %broadcast_in_dim3A_32 : vector<1x512xf32> to vector<1x512xi32>
      %eq3A = vector.broadcast %scan3A_24 : vector<1x512xf32> to vector<256x512xf32>
      %eq3A_34 = arith.cmpf oeq, %convert_element_type3A, %eq3A : vector<256x512xf32>
      %convert_element_type3A_35 = arith.extui %eq3A_34 : vector<256x512xi1> to vector<256x512xi32>
      %convert_element_type3A_36 = arith.sitofp %convert_element_type3A_35 : vector<256x512xi32> to vector<256x512xf32>
      %get3A = arith.constant 0 : index
      %get3A_37 = arith.constant 0 : index
      %get3A_38 = vector.load %arg4[%get3A, %get3A_37] : memref<256x256xbf16, #tpu.memory_space<vmem>>, vector<256x256xbf16>
      %eq3A_39 = vector.broadcast %convert_element_type3A_33 : vector<1x512xi32> to vector<256x512xi32>
      %eq3A_40 = arith.cmpi eq, %iota3A, %eq3A_39 : vector<256x512xi32>
      %convert_element_type3A_41 = arith.extui %eq3A_40 : vector<256x512xi1> to vector<256x512xi32>
      %convert_element_type3A_42 = arith.sitofp %convert_element_type3A_41 : vector<256x512xi32> to vector<256x512xf32>
      %convert_element_type3A_43 = arith.truncf %convert_element_type3A_42 : vector<256x512xf32> to vector<256x512xbf16>
      %dot_general3A = arith.constant dense<0.000000e+00> : vector<256x512xf32>
      %dot_general3A_44 = tpu.matmul %get3A_38, %convert_element_type3A_43, %dot_general3A {dimension_numbers = #tpu.dot_dimension_numbers<[1], [0], [0], [1], [0, 0, 1, 1], [], []>, transpose_lhs_hint = false} : vector<256x256xbf16>, vector<256x512xbf16>, vector<256x512xf32> -> vector<256x512xf32>
      %mul3A = arith.mulf %dot_general3A_44, %convert_element_type3A_36 : vector<256x512xf32>
      %reduce_sum3A_45 = arith.constant dense<0.000000e+00> : vector<512xf32>
      %reduce_sum3A_46 = vector.multi_reduction <add>, %mul3A, %reduce_sum3A_45 [0] : vector<256x512xf32> to vector<512xf32>
      %broadcast_in_dim3A_47 = vector.shape_cast %reduce_sum3A_46 : vector<512xf32> to vector<1x512xf32>
      scf.yield %broadcast_in_dim3A_47 : vector<1x512xf32>
    }
    %scan3A_17 = arith.constant 24 : i32
    %swap3A = arith.constant 0 : index
    %swap3A_18 = arith.constant 0 : index
    %swap3A_19 = arith.constant 0 : index
    %swap3A_20 = vector.load %arg5[%swap3A, %swap3A_18, %swap3A_19] : memref<1x1x512xf32, #tpu.memory_space<vmem>>, vector<1x1x512xf32>
    %swap3A_21 = vector.shape_cast %swap3A_20 : vector<1x1x512xf32> to vector<1x512xf32>
    %swap3A_22 = vector.shape_cast %scan3A_16 : vector<1x512xf32> to vector<1x1x512xf32>
    tpu.vector_store %arg5[%swap3A, %swap3A_18, %swap3A_19], %swap3A_22 {strides = array<i32>} : memref<1x1x512xf32, #tpu.memory_space<vmem>>, vector<1x1x512xf32>,
    return
  }
  func.func @transform_0(%arg0: i32) -> (i32, i32) {
    %c0_i32 = arith.constant 0 : i32
    %c0_i32_0 = arith.constant 0 : i32
    return %c0_i32, %arg0 : i32, i32
  }
  func.func @transform_1(%arg0: i32) -> (i32, i32) {
    %c0_i32 = arith.constant 0 : i32
    %c0_i32_0 = arith.constant 0 : i32
    return %c0_i32, %arg0 : i32, i32
  }
  func.func @transform_2(%arg0: i32) -> (i32, i32) {
    %c0_i32 = arith.constant 0 : i32
    %c0_i32_0 = arith.constant 0 : i32
    %c0_i32_1 = arith.constant 0 : i32
    return %c0_i32, %c0_i32_0 : i32, i32
  }
  func.func @transform_3(%arg0: i32) -> (i32, i32) {
    %c0_i32 = arith.constant 0 : i32
    %c0_i32_0 = arith.constant 0 : i32
    %c0_i32_1 = arith.constant 0 : i32
    return %c0_i32, %c0_i32_0 : i32, i32
  }
  func.func @transform_4(%arg0: i32) -> (i32, i32, i32) {
    %c0_i32 = arith.constant 0 : i32
    %c0_i32_0 = arith.constant 0 : i32
    %c0_i32_1 = arith.constant 0 : i32
    return %arg0, %c0_i32, %c0_i32_0 : i32, i32, i32
  }
}

module attributes {stable_mosaic.version = 14 : i64} {
  func.func @_fold_body(%arg0: i32, %arg1: memref<152x512xi32, #tpu.memory_space<vmem>>, %arg2: memref<152x512xi32, #tpu.memory_space<vmem>>, %arg3: memref<256x256xbf16, #tpu.memory_space<vmem>>, %arg4: memref<256x256xbf16, #tpu.memory_space<vmem>>, %arg5: memref<1x1x512xf32, #tpu.memory_space<vmem>>) attributes {dimension_semantics = [#tpu.dimension_semantics<arbitrary>], iteration_bounds = array<i64: 25>, scalar_prefetch = 0 : i64, scratch_operands = 0 : i64, tpu.core_type = #tpu.core_type<tc>, window_params = [{transform_indices = @transform_0, window_bounds = array<i64: 152, 512>}, {transform_indices = @transform_1, window_bounds = array<i64: 152, 512>}, {pipeline_mode = #tpu.pipeline_mode<synchronous>, transform_indices = @transform_2, window_bounds = array<i64: 256, 256>}, {pipeline_mode = #tpu.pipeline_mode<synchronous>, transform_indices = @transform_3, window_bounds = array<i64: 256, 256>}, {transform_indices = @transform_4, window_bounds = array<i64: 1, 1, 512>}]} {
    %iota3A = tpu.iota {dimensions = array<i32: 0>} : vector<256x512xi32>
    %convert_element_type3A = arith.sitofp %iota3A : vector<256x512xi32> to vector<256x512xf32>
    %broadcast_in_dim3A = arith.constant 0.000000e+00 : f32
    %broadcast_in_dim3A_0 = vector.broadcast %broadcast_in_dim3A : f32 to vector<256x512xf32>
    %scan3A = arith.constant 0 : i32
    %scan3A_1 = arith.constant 150 : i32
    %scan3A_2 = arith.addi %scan3A, %scan3A_1 : i32
    %scan3A_3 = arith.constant 1 : i32
    %scan3A_4 = scf.for %scan3A_23 = %scan3A to %scan3A_2 step %scan3A_3 iter_args(%scan3A_24 = %broadcast_in_dim3A_0) -> (vector<256x512xf32>)  : i32 {
      %get3A = arith.index_cast %scan3A_23 : i32 to index
      %get3A_25 = arith.constant 0 : index
      %get3A_26 = vector.load %arg1[%get3A, %get3A_25] : memref<152x512xi32, #tpu.memory_space<vmem>>, vector<1x512xi32>
      %get3A_27 = arith.index_cast %scan3A_23 : i32 to index
      %get3A_28 = arith.constant 0 : index
      %get3A_29 = vector.load %arg2[%get3A_27, %get3A_28] : memref<152x512xi32, #tpu.memory_space<vmem>>, vector<1x512xi32>
      %eq3A = vector.broadcast %get3A_29 : vector<1x512xi32> to vector<256x512xi32>
      %eq3A_30 = arith.cmpi eq, %iota3A, %eq3A : vector<256x512xi32>
      %convert_element_type3A_31 = arith.extui %eq3A_30 : vector<256x512xi1> to vector<256x512xi32>
      %convert_element_type3A_32 = arith.sitofp %convert_element_type3A_31 : vector<256x512xi32> to vector<256x512xf32>
      %get3A_33 = arith.constant 0 : index
      %get3A_34 = arith.constant 0 : index
      %get3A_35 = vector.load %arg3[%get3A_33, %get3A_34] : memref<256x256xbf16, #tpu.memory_space<vmem>>, vector<256x256xbf16>
      %eq3A_36 = vector.broadcast %get3A_26 : vector<1x512xi32> to vector<256x512xi32>
      %eq3A_37 = arith.cmpi eq, %iota3A, %eq3A_36 : vector<256x512xi32>
      %convert_element_type3A_38 = arith.extui %eq3A_37 : vector<256x512xi1> to vector<256x512xi32>
      %convert_element_type3A_39 = arith.sitofp %convert_element_type3A_38 : vector<256x512xi32> to vector<256x512xf32>
      %convert_element_type3A_40 = arith.truncf %convert_element_type3A_39 : vector<256x512xf32> to vector<256x512xbf16>
      %dot_general3A = arith.constant dense<0.000000e+00> : vector<256x512xf32>
      %dot_general3A_41 = tpu.matmul %get3A_35, %convert_element_type3A_40, %dot_general3A {dimension_numbers = #tpu.dot_dimension_numbers<[1], [0], [0], [1], [0, 0, 1, 1], [], []>, transpose_lhs_hint = false} : vector<256x256xbf16>, vector<256x512xbf16>, vector<256x512xf32> -> vector<256x512xf32>
      %mul3A = arith.mulf %dot_general3A_41, %convert_element_type3A_32 : vector<256x512xf32>
      %reduce_sum3A_42 = arith.constant dense<0.000000e+00> : vector<512xf32>
      %reduce_sum3A_43 = vector.multi_reduction <add>, %mul3A, %reduce_sum3A_42 [0] : vector<256x512xf32> to vector<512xf32>
      %broadcast_in_dim3A_44 = vector.shape_cast %reduce_sum3A_43 : vector<512xf32> to vector<1x512xf32>
      %ge3A = vector.broadcast %broadcast_in_dim3A_44 : vector<1x512xf32> to vector<256x512xf32>
      %ge3A_45 = arith.cmpf oge, %convert_element_type3A, %ge3A : vector<256x512xf32>
      %convert_element_type3A_46 = arith.extui %ge3A_45 : vector<256x512xi1> to vector<256x512xi32>
      %convert_element_type3A_47 = arith.sitofp %convert_element_type3A_46 : vector<256x512xi32> to vector<256x512xf32>
      %add3A = arith.addf %scan3A_24, %convert_element_type3A_47 : vector<256x512xf32>
      scf.yield %add3A : vector<256x512xf32>
    }
    %scan3A_5 = arith.constant 150 : i32
    %le3A = arith.constant 0.000000e+00 : f32
    %le3A_6 = vector.broadcast %le3A : f32 to vector<256x512xf32>
    %le3A_7 = arith.cmpf ole, %scan3A_4, %le3A_6 : vector<256x512xf32>
    %convert_element_type3A_8 = arith.extui %le3A_7 : vector<256x512xi1> to vector<256x512xi32>
    %convert_element_type3A_9 = arith.sitofp %convert_element_type3A_8 : vector<256x512xi32> to vector<256x512xf32>
    %reduce_sum3A = arith.constant dense<0.000000e+00> : vector<512xf32>
    %reduce_sum3A_10 = vector.multi_reduction <add>, %convert_element_type3A_9, %reduce_sum3A [0] : vector<256x512xf32> to vector<512xf32>
    %broadcast_in_dim3A_11 = vector.shape_cast %reduce_sum3A_10 : vector<512xf32> to vector<1x512xf32>
    %scan3A_12 = arith.constant 1 : i32
    %scan3A_13 = arith.constant 149 : i32
    %scan3A_14 = arith.addi %scan3A_12, %scan3A_13 : i32
    %scan3A_15 = arith.constant 1 : i32
    %scan3A_16 = scf.for %scan3A_23 = %scan3A_12 to %scan3A_14 step %scan3A_15 iter_args(%scan3A_24 = %broadcast_in_dim3A_11) -> (vector<1x512xf32>)  : i32 {
      %convert_element_type3A_25 = arith.sitofp %scan3A_23 : i32 to f32
      %le3A_26 = vector.broadcast %convert_element_type3A_25 : f32 to vector<256x512xf32>
      %le3A_27 = arith.cmpf ole, %scan3A_4, %le3A_26 : vector<256x512xf32>
      %convert_element_type3A_28 = arith.extui %le3A_27 : vector<256x512xi1> to vector<256x512xi32>
      %convert_element_type3A_29 = arith.sitofp %convert_element_type3A_28 : vector<256x512xi32> to vector<256x512xf32>
      %reduce_sum3A_30 = arith.constant dense<0.000000e+00> : vector<512xf32>
      %reduce_sum3A_31 = vector.multi_reduction <add>, %convert_element_type3A_29, %reduce_sum3A_30 [0] : vector<256x512xf32> to vector<512xf32>
      %broadcast_in_dim3A_32 = vector.shape_cast %reduce_sum3A_31 : vector<512xf32> to vector<1x512xf32>
      %convert_element_type3A_33 = arith.fptosi %broadcast_in_dim3A_32 : vector<1x512xf32> to vector<1x512xi32>
      %eq3A = vector.broadcast %scan3A_24 : vector<1x512xf32> to vector<256x512xf32>
      %eq3A_34 = arith.cmpf oeq, %convert_element_type3A, %eq3A : vector<256x512xf32>
      %convert_element_type3A_35 = arith.extui %eq3A_34 : vector<256x512xi1> to vector<256x512xi32>
      %convert_element_type3A_36 = arith.sitofp %convert_element_type3A_35 : vector<256x512xi32> to vector<256x512xf32>
      %get3A = arith.constant 0 : index
      %get3A_37 = arith.constant 0 : index
      %get3A_38 = vector.load %arg4[%get3A, %get3A_37] : memref<256x256xbf16, #tpu.memory_space<vmem>>, vector<256x256xbf16>
      %eq3A_39 = vector.broadcast %convert_element_type3A_33 : vector<1x512xi32> to vector<256x512xi32>
      %eq3A_40 = arith.cmpi eq, %iota3A, %eq3A_39 : vector<256x512xi32>
      %convert_element_type3A_41 = arith.extui %eq3A_40 : vector<256x512xi1> to vector<256x512xi32>
      %convert_element_type3A_42 = arith.sitofp %convert_element_type3A_41 : vector<256x512xi32> to vector<256x512xf32>
      %convert_element_type3A_43 = arith.truncf %convert_element_type3A_42 : vector<256x512xf32> to vector<256x512xbf16>
      %dot_general3A = arith.constant dense<0.000000e+00> : vector<256x512xf32>
      %dot_general3A_44 = tpu.matmul %get3A_38, %convert_element_type3A_43, %dot_general3A {dimension_numbers = #tpu.dot_dimension_numbers<[1], [0], [0], [1], [0, 0, 1, 1], [], []>, transpose_lhs_hint = false} : vector<256x256xbf16>, vector<256x512xbf16>, vector<256x512xf32> -> vector<256x512xf32>
      %mul3A = arith.mulf %dot_general3A_44, %convert_element_type3A_36 : vector<256x512xf32>
      %reduce_sum3A_45 = arith.constant dense<0.000000e+00> : vector<512xf32>
      %reduce_sum3A_46 = vector.multi_reduction <add>, %mul3A, %reduce_sum3A_45 [0] : vector<256x512xf32> to vector<512xf32>
      %broadcast_in_dim3A_47 = vector.shape_cast %reduce_sum3A_46 : vector<512xf32> to vector<1x512xf32>
      scf.yield %broadcast_in_dim3A_47 : vector<1x512xf32>
    }
    %scan3A_17 = arith.constant 149 : i32
    %swap3A = arith.constant 0 : index
    %swap3A_18 = arith.constant 0 : index
    %swap3A_19 = arith.constant 0 : index
    %swap3A_20 = vector.load %arg5[%swap3A, %swap3A_18, %swap3A_19] : memref<1x1x512xf32, #tpu.memory_space<vmem>>, vector<1x1x512xf32>
    %swap3A_21 = vector.shape_cast %swap3A_20 : vector<1x1x512xf32> to vector<1x512xf32>
    %swap3A_22 = vector.shape_cast %scan3A_16 : vector<1x512xf32> to vector<1x1x512xf32>
    tpu.vector_store %arg5[%swap3A, %swap3A_18, %swap3A_19], %swap3A_22 {strides = array<i32>} : memref<1x1x512xf32, #tpu.memory_space<vmem>>, vector<1x1x512xf32>,
    return
  }
  func.func @transform_0(%arg0: i32) -> (i32, i32) {
    %c0_i32 = arith.constant 0 : i32
    %c0_i32_0 = arith.constant 0 : i32
    return %c0_i32, %arg0 : i32, i32
  }
  func.func @transform_1(%arg0: i32) -> (i32, i32) {
    %c0_i32 = arith.constant 0 : i32
    %c0_i32_0 = arith.constant 0 : i32
    return %c0_i32, %arg0 : i32, i32
  }
  func.func @transform_2(%arg0: i32) -> (i32, i32) {
    %c0_i32 = arith.constant 0 : i32
    %c0_i32_0 = arith.constant 0 : i32
    %c0_i32_1 = arith.constant 0 : i32
    return %c0_i32, %c0_i32_0 : i32, i32
  }
  func.func @transform_3(%arg0: i32) -> (i32, i32) {
    %c0_i32 = arith.constant 0 : i32
    %c0_i32_0 = arith.constant 0 : i32
    %c0_i32_1 = arith.constant 0 : i32
    return %c0_i32, %c0_i32_0 : i32, i32
  }
  func.func @transform_4(%arg0: i32) -> (i32, i32, i32) {
    %c0_i32 = arith.constant 0 : i32
    %c0_i32_0 = arith.constant 0 : i32
    %c0_i32_1 = arith.constant 0 : i32
    return %arg0, %c0_i32, %c0_i32_0 : i32, i32, i32
  }
}

module attributes {stable_mosaic.version = 14 : i64} {
  func.func @_fold_body(%arg0: i32, %arg1: memref<400x512xi32, #tpu.memory_space<vmem>>, %arg2: memref<400x512xi32, #tpu.memory_space<vmem>>, %arg3: memref<256x256xbf16, #tpu.memory_space<vmem>>, %arg4: memref<256x256xbf16, #tpu.memory_space<vmem>>, %arg5: memref<1x1x512xf32, #tpu.memory_space<vmem>>) attributes {dimension_semantics = [#tpu.dimension_semantics<arbitrary>], iteration_bounds = array<i64: 8>, scalar_prefetch = 0 : i64, scratch_operands = 0 : i64, tpu.core_type = #tpu.core_type<tc>, window_params = [{transform_indices = @transform_0, window_bounds = array<i64: 400, 512>}, {transform_indices = @transform_1, window_bounds = array<i64: 400, 512>}, {pipeline_mode = #tpu.pipeline_mode<synchronous>, transform_indices = @transform_2, window_bounds = array<i64: 256, 256>}, {pipeline_mode = #tpu.pipeline_mode<synchronous>, transform_indices = @transform_3, window_bounds = array<i64: 256, 256>}, {transform_indices = @transform_4, window_bounds = array<i64: 1, 1, 512>}]} {
    %iota3A = tpu.iota {dimensions = array<i32: 0>} : vector<256x512xi32>
    %convert_element_type3A = arith.sitofp %iota3A : vector<256x512xi32> to vector<256x512xf32>
    %broadcast_in_dim3A = arith.constant 0.000000e+00 : f32
    %broadcast_in_dim3A_0 = vector.broadcast %broadcast_in_dim3A : f32 to vector<256x512xf32>
    %scan3A = arith.constant 0 : i32
    %scan3A_1 = arith.constant 400 : i32
    %scan3A_2 = arith.addi %scan3A, %scan3A_1 : i32
    %scan3A_3 = arith.constant 1 : i32
    %scan3A_4 = scf.for %scan3A_23 = %scan3A to %scan3A_2 step %scan3A_3 iter_args(%scan3A_24 = %broadcast_in_dim3A_0) -> (vector<256x512xf32>)  : i32 {
      %get3A = arith.index_cast %scan3A_23 : i32 to index
      %get3A_25 = arith.constant 0 : index
      %get3A_26 = vector.load %arg1[%get3A, %get3A_25] : memref<400x512xi32, #tpu.memory_space<vmem>>, vector<1x512xi32>
      %get3A_27 = arith.index_cast %scan3A_23 : i32 to index
      %get3A_28 = arith.constant 0 : index
      %get3A_29 = vector.load %arg2[%get3A_27, %get3A_28] : memref<400x512xi32, #tpu.memory_space<vmem>>, vector<1x512xi32>
      %eq3A = vector.broadcast %get3A_29 : vector<1x512xi32> to vector<256x512xi32>
      %eq3A_30 = arith.cmpi eq, %iota3A, %eq3A : vector<256x512xi32>
      %convert_element_type3A_31 = arith.extui %eq3A_30 : vector<256x512xi1> to vector<256x512xi32>
      %convert_element_type3A_32 = arith.sitofp %convert_element_type3A_31 : vector<256x512xi32> to vector<256x512xf32>
      %get3A_33 = arith.constant 0 : index
      %get3A_34 = arith.constant 0 : index
      %get3A_35 = vector.load %arg3[%get3A_33, %get3A_34] : memref<256x256xbf16, #tpu.memory_space<vmem>>, vector<256x256xbf16>
      %eq3A_36 = vector.broadcast %get3A_26 : vector<1x512xi32> to vector<256x512xi32>
      %eq3A_37 = arith.cmpi eq, %iota3A, %eq3A_36 : vector<256x512xi32>
      %convert_element_type3A_38 = arith.extui %eq3A_37 : vector<256x512xi1> to vector<256x512xi32>
      %convert_element_type3A_39 = arith.sitofp %convert_element_type3A_38 : vector<256x512xi32> to vector<256x512xf32>
      %convert_element_type3A_40 = arith.truncf %convert_element_type3A_39 : vector<256x512xf32> to vector<256x512xbf16>
      %dot_general3A = arith.constant dense<0.000000e+00> : vector<256x512xf32>
      %dot_general3A_41 = tpu.matmul %get3A_35, %convert_element_type3A_40, %dot_general3A {dimension_numbers = #tpu.dot_dimension_numbers<[1], [0], [0], [1], [0, 0, 1, 1], [], []>, transpose_lhs_hint = false} : vector<256x256xbf16>, vector<256x512xbf16>, vector<256x512xf32> -> vector<256x512xf32>
      %mul3A = arith.mulf %dot_general3A_41, %convert_element_type3A_32 : vector<256x512xf32>
      %reduce_sum3A_42 = arith.constant dense<0.000000e+00> : vector<512xf32>
      %reduce_sum3A_43 = vector.multi_reduction <add>, %mul3A, %reduce_sum3A_42 [0] : vector<256x512xf32> to vector<512xf32>
      %broadcast_in_dim3A_44 = vector.shape_cast %reduce_sum3A_43 : vector<512xf32> to vector<1x512xf32>
      %ge3A = vector.broadcast %broadcast_in_dim3A_44 : vector<1x512xf32> to vector<256x512xf32>
      %ge3A_45 = arith.cmpf oge, %convert_element_type3A, %ge3A : vector<256x512xf32>
      %convert_element_type3A_46 = arith.extui %ge3A_45 : vector<256x512xi1> to vector<256x512xi32>
      %convert_element_type3A_47 = arith.sitofp %convert_element_type3A_46 : vector<256x512xi32> to vector<256x512xf32>
      %add3A = arith.addf %scan3A_24, %convert_element_type3A_47 : vector<256x512xf32>
      scf.yield %add3A : vector<256x512xf32>
    }
    %scan3A_5 = arith.constant 400 : i32
    %le3A = arith.constant 0.000000e+00 : f32
    %le3A_6 = vector.broadcast %le3A : f32 to vector<256x512xf32>
    %le3A_7 = arith.cmpf ole, %scan3A_4, %le3A_6 : vector<256x512xf32>
    %convert_element_type3A_8 = arith.extui %le3A_7 : vector<256x512xi1> to vector<256x512xi32>
    %convert_element_type3A_9 = arith.sitofp %convert_element_type3A_8 : vector<256x512xi32> to vector<256x512xf32>
    %reduce_sum3A = arith.constant dense<0.000000e+00> : vector<512xf32>
    %reduce_sum3A_10 = vector.multi_reduction <add>, %convert_element_type3A_9, %reduce_sum3A [0] : vector<256x512xf32> to vector<512xf32>
    %broadcast_in_dim3A_11 = vector.shape_cast %reduce_sum3A_10 : vector<512xf32> to vector<1x512xf32>
    %scan3A_12 = arith.constant 1 : i32
    %scan3A_13 = arith.constant 399 : i32
    %scan3A_14 = arith.addi %scan3A_12, %scan3A_13 : i32
    %scan3A_15 = arith.constant 1 : i32
    %scan3A_16 = scf.for %scan3A_23 = %scan3A_12 to %scan3A_14 step %scan3A_15 iter_args(%scan3A_24 = %broadcast_in_dim3A_11) -> (vector<1x512xf32>)  : i32 {
      %convert_element_type3A_25 = arith.sitofp %scan3A_23 : i32 to f32
      %le3A_26 = vector.broadcast %convert_element_type3A_25 : f32 to vector<256x512xf32>
      %le3A_27 = arith.cmpf ole, %scan3A_4, %le3A_26 : vector<256x512xf32>
      %convert_element_type3A_28 = arith.extui %le3A_27 : vector<256x512xi1> to vector<256x512xi32>
      %convert_element_type3A_29 = arith.sitofp %convert_element_type3A_28 : vector<256x512xi32> to vector<256x512xf32>
      %reduce_sum3A_30 = arith.constant dense<0.000000e+00> : vector<512xf32>
      %reduce_sum3A_31 = vector.multi_reduction <add>, %convert_element_type3A_29, %reduce_sum3A_30 [0] : vector<256x512xf32> to vector<512xf32>
      %broadcast_in_dim3A_32 = vector.shape_cast %reduce_sum3A_31 : vector<512xf32> to vector<1x512xf32>
      %convert_element_type3A_33 = arith.fptosi %broadcast_in_dim3A_32 : vector<1x512xf32> to vector<1x512xi32>
      %eq3A = vector.broadcast %scan3A_24 : vector<1x512xf32> to vector<256x512xf32>
      %eq3A_34 = arith.cmpf oeq, %convert_element_type3A, %eq3A : vector<256x512xf32>
      %convert_element_type3A_35 = arith.extui %eq3A_34 : vector<256x512xi1> to vector<256x512xi32>
      %convert_element_type3A_36 = arith.sitofp %convert_element_type3A_35 : vector<256x512xi32> to vector<256x512xf32>
      %get3A = arith.constant 0 : index
      %get3A_37 = arith.constant 0 : index
      %get3A_38 = vector.load %arg4[%get3A, %get3A_37] : memref<256x256xbf16, #tpu.memory_space<vmem>>, vector<256x256xbf16>
      %eq3A_39 = vector.broadcast %convert_element_type3A_33 : vector<1x512xi32> to vector<256x512xi32>
      %eq3A_40 = arith.cmpi eq, %iota3A, %eq3A_39 : vector<256x512xi32>
      %convert_element_type3A_41 = arith.extui %eq3A_40 : vector<256x512xi1> to vector<256x512xi32>
      %convert_element_type3A_42 = arith.sitofp %convert_element_type3A_41 : vector<256x512xi32> to vector<256x512xf32>
      %convert_element_type3A_43 = arith.truncf %convert_element_type3A_42 : vector<256x512xf32> to vector<256x512xbf16>
      %dot_general3A = arith.constant dense<0.000000e+00> : vector<256x512xf32>
      %dot_general3A_44 = tpu.matmul %get3A_38, %convert_element_type3A_43, %dot_general3A {dimension_numbers = #tpu.dot_dimension_numbers<[1], [0], [0], [1], [0, 0, 1, 1], [], []>, transpose_lhs_hint = false} : vector<256x256xbf16>, vector<256x512xbf16>, vector<256x512xf32> -> vector<256x512xf32>
      %mul3A = arith.mulf %dot_general3A_44, %convert_element_type3A_36 : vector<256x512xf32>
      %reduce_sum3A_45 = arith.constant dense<0.000000e+00> : vector<512xf32>
      %reduce_sum3A_46 = vector.multi_reduction <add>, %mul3A, %reduce_sum3A_45 [0] : vector<256x512xf32> to vector<512xf32>
      %broadcast_in_dim3A_47 = vector.shape_cast %reduce_sum3A_46 : vector<512xf32> to vector<1x512xf32>
      scf.yield %broadcast_in_dim3A_47 : vector<1x512xf32>
    }
    %scan3A_17 = arith.constant 399 : i32
    %swap3A = arith.constant 0 : index
    %swap3A_18 = arith.constant 0 : index
    %swap3A_19 = arith.constant 0 : index
    %swap3A_20 = vector.load %arg5[%swap3A, %swap3A_18, %swap3A_19] : memref<1x1x512xf32, #tpu.memory_space<vmem>>, vector<1x1x512xf32>
    %swap3A_21 = vector.shape_cast %swap3A_20 : vector<1x1x512xf32> to vector<1x512xf32>
    %swap3A_22 = vector.shape_cast %scan3A_16 : vector<1x512xf32> to vector<1x1x512xf32>
    tpu.vector_store %arg5[%swap3A, %swap3A_18, %swap3A_19], %swap3A_22 {strides = array<i32>} : memref<1x1x512xf32, #tpu.memory_space<vmem>>, vector<1x1x512xf32>,
    return
  }
  func.func @transform_0(%arg0: i32) -> (i32, i32) {
    %c0_i32 = arith.constant 0 : i32
    %c0_i32_0 = arith.constant 0 : i32
    return %c0_i32, %arg0 : i32, i32
  }
  func.func @transform_1(%arg0: i32) -> (i32, i32) {
    %c0_i32 = arith.constant 0 : i32
    %c0_i32_0 = arith.constant 0 : i32
    return %c0_i32, %arg0 : i32, i32
  }
  func.func @transform_2(%arg0: i32) -> (i32, i32) {
    %c0_i32 = arith.constant 0 : i32
    %c0_i32_0 = arith.constant 0 : i32
    %c0_i32_1 = arith.constant 0 : i32
    return %c0_i32, %c0_i32_0 : i32, i32
  }
  func.func @transform_3(%arg0: i32) -> (i32, i32) {
    %c0_i32 = arith.constant 0 : i32
    %c0_i32_0 = arith.constant 0 : i32
    %c0_i32_1 = arith.constant 0 : i32
    return %c0_i32, %c0_i32_0 : i32, i32
  }
  func.func @transform_4(%arg0: i32) -> (i32, i32, i32) {
    %c0_i32 = arith.constant 0 : i32
    %c0_i32_0 = arith.constant 0 : i32
    %c0_i32_1 = arith.constant 0 : i32
    return %arg0, %c0_i32, %c0_i32_0 : i32, i32, i32
  }
}

module attributes {stable_mosaic.version = 14 : i64} {
  func.func @_fold_body(%arg0: i32, %arg1: memref<120x512xi32, #tpu.memory_space<vmem>>, %arg2: memref<120x512xi32, #tpu.memory_space<vmem>>, %arg3: memref<256x256xbf16, #tpu.memory_space<vmem>>, %arg4: memref<256x256xbf16, #tpu.memory_space<vmem>>, %arg5: memref<1x1x512xf32, #tpu.memory_space<vmem>>) attributes {dimension_semantics = [#tpu.dimension_semantics<arbitrary>], iteration_bounds = array<i64: 6>, scalar_prefetch = 0 : i64, scratch_operands = 0 : i64, tpu.core_type = #tpu.core_type<tc>, window_params = [{transform_indices = @transform_0, window_bounds = array<i64: 120, 512>}, {transform_indices = @transform_1, window_bounds = array<i64: 120, 512>}, {pipeline_mode = #tpu.pipeline_mode<synchronous>, transform_indices = @transform_2, window_bounds = array<i64: 256, 256>}, {pipeline_mode = #tpu.pipeline_mode<synchronous>, transform_indices = @transform_3, window_bounds = array<i64: 256, 256>}, {transform_indices = @transform_4, window_bounds = array<i64: 1, 1, 512>}]} {
    %iota3A = tpu.iota {dimensions = array<i32: 0>} : vector<256x512xi32>
    %convert_element_type3A = arith.sitofp %iota3A : vector<256x512xi32> to vector<256x512xf32>
    %broadcast_in_dim3A = arith.constant 0.000000e+00 : f32
    %broadcast_in_dim3A_0 = vector.broadcast %broadcast_in_dim3A : f32 to vector<256x512xf32>
    %scan3A = arith.constant 0 : i32
    %scan3A_1 = arith.constant 120 : i32
    %scan3A_2 = arith.addi %scan3A, %scan3A_1 : i32
    %scan3A_3 = arith.constant 1 : i32
    %scan3A_4 = scf.for %scan3A_23 = %scan3A to %scan3A_2 step %scan3A_3 iter_args(%scan3A_24 = %broadcast_in_dim3A_0) -> (vector<256x512xf32>)  : i32 {
      %get3A = arith.index_cast %scan3A_23 : i32 to index
      %get3A_25 = arith.constant 0 : index
      %get3A_26 = vector.load %arg1[%get3A, %get3A_25] : memref<120x512xi32, #tpu.memory_space<vmem>>, vector<1x512xi32>
      %get3A_27 = arith.index_cast %scan3A_23 : i32 to index
      %get3A_28 = arith.constant 0 : index
      %get3A_29 = vector.load %arg2[%get3A_27, %get3A_28] : memref<120x512xi32, #tpu.memory_space<vmem>>, vector<1x512xi32>
      %eq3A = vector.broadcast %get3A_29 : vector<1x512xi32> to vector<256x512xi32>
      %eq3A_30 = arith.cmpi eq, %iota3A, %eq3A : vector<256x512xi32>
      %convert_element_type3A_31 = arith.extui %eq3A_30 : vector<256x512xi1> to vector<256x512xi32>
      %convert_element_type3A_32 = arith.sitofp %convert_element_type3A_31 : vector<256x512xi32> to vector<256x512xf32>
      %get3A_33 = arith.constant 0 : index
      %get3A_34 = arith.constant 0 : index
      %get3A_35 = vector.load %arg3[%get3A_33, %get3A_34] : memref<256x256xbf16, #tpu.memory_space<vmem>>, vector<256x256xbf16>
      %eq3A_36 = vector.broadcast %get3A_26 : vector<1x512xi32> to vector<256x512xi32>
      %eq3A_37 = arith.cmpi eq, %iota3A, %eq3A_36 : vector<256x512xi32>
      %convert_element_type3A_38 = arith.extui %eq3A_37 : vector<256x512xi1> to vector<256x512xi32>
      %convert_element_type3A_39 = arith.sitofp %convert_element_type3A_38 : vector<256x512xi32> to vector<256x512xf32>
      %convert_element_type3A_40 = arith.truncf %convert_element_type3A_39 : vector<256x512xf32> to vector<256x512xbf16>
      %dot_general3A = arith.constant dense<0.000000e+00> : vector<256x512xf32>
      %dot_general3A_41 = tpu.matmul %get3A_35, %convert_element_type3A_40, %dot_general3A {dimension_numbers = #tpu.dot_dimension_numbers<[1], [0], [0], [1], [0, 0, 1, 1], [], []>, transpose_lhs_hint = false} : vector<256x256xbf16>, vector<256x512xbf16>, vector<256x512xf32> -> vector<256x512xf32>
      %mul3A = arith.mulf %dot_general3A_41, %convert_element_type3A_32 : vector<256x512xf32>
      %reduce_sum3A_42 = arith.constant dense<0.000000e+00> : vector<512xf32>
      %reduce_sum3A_43 = vector.multi_reduction <add>, %mul3A, %reduce_sum3A_42 [0] : vector<256x512xf32> to vector<512xf32>
      %broadcast_in_dim3A_44 = vector.shape_cast %reduce_sum3A_43 : vector<512xf32> to vector<1x512xf32>
      %ge3A = vector.broadcast %broadcast_in_dim3A_44 : vector<1x512xf32> to vector<256x512xf32>
      %ge3A_45 = arith.cmpf oge, %convert_element_type3A, %ge3A : vector<256x512xf32>
      %convert_element_type3A_46 = arith.extui %ge3A_45 : vector<256x512xi1> to vector<256x512xi32>
      %convert_element_type3A_47 = arith.sitofp %convert_element_type3A_46 : vector<256x512xi32> to vector<256x512xf32>
      %add3A = arith.addf %scan3A_24, %convert_element_type3A_47 : vector<256x512xf32>
      scf.yield %add3A : vector<256x512xf32>
    }
    %scan3A_5 = arith.constant 120 : i32
    %le3A = arith.constant 0.000000e+00 : f32
    %le3A_6 = vector.broadcast %le3A : f32 to vector<256x512xf32>
    %le3A_7 = arith.cmpf ole, %scan3A_4, %le3A_6 : vector<256x512xf32>
    %convert_element_type3A_8 = arith.extui %le3A_7 : vector<256x512xi1> to vector<256x512xi32>
    %convert_element_type3A_9 = arith.sitofp %convert_element_type3A_8 : vector<256x512xi32> to vector<256x512xf32>
    %reduce_sum3A = arith.constant dense<0.000000e+00> : vector<512xf32>
    %reduce_sum3A_10 = vector.multi_reduction <add>, %convert_element_type3A_9, %reduce_sum3A [0] : vector<256x512xf32> to vector<512xf32>
    %broadcast_in_dim3A_11 = vector.shape_cast %reduce_sum3A_10 : vector<512xf32> to vector<1x512xf32>
    %scan3A_12 = arith.constant 1 : i32
    %scan3A_13 = arith.constant 119 : i32
    %scan3A_14 = arith.addi %scan3A_12, %scan3A_13 : i32
    %scan3A_15 = arith.constant 1 : i32
    %scan3A_16 = scf.for %scan3A_23 = %scan3A_12 to %scan3A_14 step %scan3A_15 iter_args(%scan3A_24 = %broadcast_in_dim3A_11) -> (vector<1x512xf32>)  : i32 {
      %convert_element_type3A_25 = arith.sitofp %scan3A_23 : i32 to f32
      %le3A_26 = vector.broadcast %convert_element_type3A_25 : f32 to vector<256x512xf32>
      %le3A_27 = arith.cmpf ole, %scan3A_4, %le3A_26 : vector<256x512xf32>
      %convert_element_type3A_28 = arith.extui %le3A_27 : vector<256x512xi1> to vector<256x512xi32>
      %convert_element_type3A_29 = arith.sitofp %convert_element_type3A_28 : vector<256x512xi32> to vector<256x512xf32>
      %reduce_sum3A_30 = arith.constant dense<0.000000e+00> : vector<512xf32>
      %reduce_sum3A_31 = vector.multi_reduction <add>, %convert_element_type3A_29, %reduce_sum3A_30 [0] : vector<256x512xf32> to vector<512xf32>
      %broadcast_in_dim3A_32 = vector.shape_cast %reduce_sum3A_31 : vector<512xf32> to vector<1x512xf32>
      %convert_element_type3A_33 = arith.fptosi %broadcast_in_dim3A_32 : vector<1x512xf32> to vector<1x512xi32>
      %eq3A = vector.broadcast %scan3A_24 : vector<1x512xf32> to vector<256x512xf32>
      %eq3A_34 = arith.cmpf oeq, %convert_element_type3A, %eq3A : vector<256x512xf32>
      %convert_element_type3A_35 = arith.extui %eq3A_34 : vector<256x512xi1> to vector<256x512xi32>
      %convert_element_type3A_36 = arith.sitofp %convert_element_type3A_35 : vector<256x512xi32> to vector<256x512xf32>
      %get3A = arith.constant 0 : index
      %get3A_37 = arith.constant 0 : index
      %get3A_38 = vector.load %arg4[%get3A, %get3A_37] : memref<256x256xbf16, #tpu.memory_space<vmem>>, vector<256x256xbf16>
      %eq3A_39 = vector.broadcast %convert_element_type3A_33 : vector<1x512xi32> to vector<256x512xi32>
      %eq3A_40 = arith.cmpi eq, %iota3A, %eq3A_39 : vector<256x512xi32>
      %convert_element_type3A_41 = arith.extui %eq3A_40 : vector<256x512xi1> to vector<256x512xi32>
      %convert_element_type3A_42 = arith.sitofp %convert_element_type3A_41 : vector<256x512xi32> to vector<256x512xf32>
      %convert_element_type3A_43 = arith.truncf %convert_element_type3A_42 : vector<256x512xf32> to vector<256x512xbf16>
      %dot_general3A = arith.constant dense<0.000000e+00> : vector<256x512xf32>
      %dot_general3A_44 = tpu.matmul %get3A_38, %convert_element_type3A_43, %dot_general3A {dimension_numbers = #tpu.dot_dimension_numbers<[1], [0], [0], [1], [0, 0, 1, 1], [], []>, transpose_lhs_hint = false} : vector<256x256xbf16>, vector<256x512xbf16>, vector<256x512xf32> -> vector<256x512xf32>
      %mul3A = arith.mulf %dot_general3A_44, %convert_element_type3A_36 : vector<256x512xf32>
      %reduce_sum3A_45 = arith.constant dense<0.000000e+00> : vector<512xf32>
      %reduce_sum3A_46 = vector.multi_reduction <add>, %mul3A, %reduce_sum3A_45 [0] : vector<256x512xf32> to vector<512xf32>
      %broadcast_in_dim3A_47 = vector.shape_cast %reduce_sum3A_46 : vector<512xf32> to vector<1x512xf32>
      scf.yield %broadcast_in_dim3A_47 : vector<1x512xf32>
    }
    %scan3A_17 = arith.constant 119 : i32
    %swap3A = arith.constant 0 : index
    %swap3A_18 = arith.constant 0 : index
    %swap3A_19 = arith.constant 0 : index
    %swap3A_20 = vector.load %arg5[%swap3A, %swap3A_18, %swap3A_19] : memref<1x1x512xf32, #tpu.memory_space<vmem>>, vector<1x1x512xf32>
    %swap3A_21 = vector.shape_cast %swap3A_20 : vector<1x1x512xf32> to vector<1x512xf32>
    %swap3A_22 = vector.shape_cast %scan3A_16 : vector<1x512xf32> to vector<1x1x512xf32>
    tpu.vector_store %arg5[%swap3A, %swap3A_18, %swap3A_19], %swap3A_22 {strides = array<i32>} : memref<1x1x512xf32, #tpu.memory_space<vmem>>, vector<1x1x512xf32>,
    return
  }
  func.func @transform_0(%arg0: i32) -> (i32, i32) {
    %c0_i32 = arith.constant 0 : i32
    %c0_i32_0 = arith.constant 0 : i32
    return %c0_i32, %arg0 : i32, i32
  }
  func.func @transform_1(%arg0: i32) -> (i32, i32) {
    %c0_i32 = arith.constant 0 : i32
    %c0_i32_0 = arith.constant 0 : i32
    return %c0_i32, %arg0 : i32, i32
  }
  func.func @transform_2(%arg0: i32) -> (i32, i32) {
    %c0_i32 = arith.constant 0 : i32
    %c0_i32_0 = arith.constant 0 : i32
    %c0_i32_1 = arith.constant 0 : i32
    return %c0_i32, %c0_i32_0 : i32, i32
  }
  func.func @transform_3(%arg0: i32) -> (i32, i32) {
    %c0_i32 = arith.constant 0 : i32
    %c0_i32_0 = arith.constant 0 : i32
    %c0_i32_1 = arith.constant 0 : i32
    return %c0_i32, %c0_i32_0 : i32, i32
  }
  func.func @transform_4(%arg0: i32) -> (i32, i32, i32) {
    %c0_i32 = arith.constant 0 : i32
    %c0_i32_0 = arith.constant 0 : i32
    %c0_i32_1 = arith.constant 0 : i32
    return %arg0, %c0_i32, %c0_i32_0 : i32, i32, i32
  }
}

</mosaic_0001>

<sc_bundles>
// kernel: gather_offload_async_start.1
scs
__scs_entry_jumppad:
0x0: {  	(pc) =	sbr.rel $0x88, $3  }
0x1: {  	(tag) =	ssettag $0x0;
	lr =	simm.s32 $0x1  }
0x2: {  	[smem:$0x3F90] =	sst lr;
	_ =	strace $0xD0000000  }
0x3: {  	_ = 	snop  }
0x4: {  	_ = 	snop  }
0x5: {  	_ = 	snop  }
0x6: {  	_ = 	snop  }
0x7: {  	_ = 	snop  }
__scs_overlays_trampoline_lowered:
0x8: {  	[smem:$0x3F9F] =	sst s0  }
0x9: {  	[smem:$0x3FA0] =	sst s1  }
0xa: {  	[smem:$0x3FA1] =	sst s2  }
0xb: {  	[smem:$0x3FA2] =	sst s3  }
0xc: {  	[smem:$0x3FA3] =	sst s4  }
0xd: {  	[smem:$0x3FA4] =	sst s5  }
0xe: {  	[smem:$0x3FA5] =	sst s6  }
0xf: {  	[smem:$0x3FA6] =	sst s7  }
0x10: {  	[smem:$0x3FA7] =	sst s8  }
0x11: {  	[smem:$0x3FA8] =	sst s9;
	s0 =	simm.s32 @!p0 $0x0  }
0x12: {  	s1 =	sld [smem:$0x3F8E];
	s0 =	simm.s32 @p0 $0x1  }
0x13: {  	[smem:$0x3FA9] =	sst s0;
	s0 =	simm.s32 @!p1 $0x0  }
0x14: {  	s2 =	sld [smem:$0x3F8D];
	s0 =	simm.s32 @p1 $0x1  }
0x15: {  	[smem:$0x3FAA] =	sst s0;
	s0 =	simm.s32 @!p2 $0x0  }
0x16: {  	s3 =	sld [smem:$0x3FDB];
	s0 =	simm.s32 @p2 $0x1  }
0x17: {  	s4 =	simm.s32 $0x1BF5;
	[smem:$0x3FAC] =	sst s0  }
0x18: {  	s0 =	sld [smem:$0x3F8F];
	_ =	swait.ge [sflag:s4], $0x0  }
0x19: {  	s7 =	sld [smem:$0x3F90]  }
0x1a: {  	s8 =	sadd.s32 $0xFFFFE003, lr  }
0x1b: {  	s9 =	sadd.s32 $0xFFFFFEF7, lr;
	s5 =	simm.s32 $0xFFFFFFFF;
	p2 =	slt.u32 s8, $0xFFFFF086  }
0x1c: {  	p1 =	slt.u32 s9, $0xF7A;
	s5 =	simm.s32 @!p2 $0x0  }
0x1d: {  	s5 =	simm.s32 @p1 $0x1;
	p0 =	seq.s32 s7, s2  }
0x1e: {  	s7 =	smul.u32 @!p0 $0xF7A, s2;
	p2 =	seq.s32 @!p0 s5, $0x0  }
0x1f: {  	s9 =	smul.u32 $0xF7A, s1;
	s8 =	simm.s32 @!p0 $0x1BF5;
	p2 =	por !p2, p0  }
0x20: {  	[sflag:s8] =	ssyncset.s32 @!p0 $0xFFFFF086;
	s6 =	sadd.s32 @!p0 s3, s7;
	s7 =	simm.s32 @!p0 $0x108  }
0x21: {  	s3 =	sadd.s32 s3, s9;
	s6 =	sadd.s32 @!p0 $0x88, s6;
	s7 =	simm.s32 @p2 $0x1082  }
0x22: {  	[simem:s7], [sflag:s8] =	dma.local @!p0 [hbm:s6], $0xF7A  }
0x23: {  	s9 =	sor.u32 $0xD0000000, s2;
	s6 =	simm.s32 $0x108;
	_ =	swait.ge @!p0 [sflag:s8], $0x0  }
0x24: {  	s3 =	sadd.s32 $0x88, s3;
	s6 =	simm.s32 @!p1 $0x1082;
	[sflag:s4] =	ssyncset.s32 $0xFFFFF086  }
0x25: {  	[simem:s6], [sflag:s4] =	dma.local [hbm:s3], $0xF7A  }
0x26: {  	[smem:$0x3F90] =	sst s1;
	(tag) =	ssettag s2;
	_ =	strace s9  }
0x27: {  	s1 =	sld [smem:$0x3FA0]  }
0x28: {  	s2 =	sld [smem:$0x3FA1]  }
0x29: {  	s4 =	sld [smem:$0x3FA3]  }
0x2a: {  	p0 =	seq.s32 s5, $0x0;
	s5 =	sld [smem:$0x3FA4]  }
0x2b: {  	s6 =	sld [smem:$0x3FA5]  }
0x2c: {  	s7 =	sld [smem:$0x3FA6]  }
0x2d: {  	s3 =	simm.s32 $0x108;
	s8 =	sld [smem:$0x3FA7]  }
0x2e: {  	s3 =	simm.s32 @!p0 $0x1082;
	s9 =	sld [smem:$0x3FA8]  }
0x2f: {  	lr =	sadd.s32 s0, s3;
	s0 =	sld [smem:$0x3F9F]  }
0x30: {  	s3 =	sld [smem:$0x3FA2]  }
0x31: {  	[smem:$0x3FAB] =	sst s10  }
0x32: {  	s10 =	sld [smem:$0x3FA9];
	_ =	sdelay $0x3  }
0x33: {  	p0 =	seq.s32 s10, $0x1;
	s10 =	sld [smem:$0x3FAB];
	_ =	sdelay $0x3  }
0x34: {  	[smem:$0x3FAB] =	sst s10  }
0x35: {  	s10 =	sld [smem:$0x3FAA];
	_ =	sdelay $0x3  }
0x36: {  	p1 =	seq.s32 s10, $0x1;
	s10 =	sld [smem:$0x3FAB];
	_ =	sdelay $0x3  }
0x37: {  	[smem:$0x3FAB] =	sst s10  }
0x38: {  	s10 =	sld [smem:$0x3FAC]  }
0x39: {  	_ = 	snop;
	(pc) =	sbr.ind lr, $3  }
0x3a: {  	_ = 	snop  }
0x3b: {  	_ = 	snop  }
0x3c: {  	p2 =	seq.s32 s10, $0x1;
	s10 =	sld [smem:$0x3FAB]  }
0x3d: {  	_ =	shalt  }
0x3e: {  	_ =	shalt  }
0x3f: {  	_ =	shalt  }
0x40: {  	_ =	shalt  }
0x41: {  	_ =	shalt  }
0x42: {  	_ =	shalt  }
0x43: {  	_ =	shalt  }
0x44: {  	_ =	shalt  }
0x45: {  	_ =	shalt  }
0x46: {  	_ =	shalt  }
0x47: {  	_ =	shalt  }
0x48: {  	_ =	shalt  }
0x49: {  	_ =	shalt  }
0x4a: {  	_ =	shalt  }
0x4b: {  	_ =	shalt  }
0x4c: {  	_ =	shalt  }
0x4d: {  	_ =	shalt  }
0x4e: {  	_ =	shalt  }
0x4f: {  	_ =	shalt  }
0x50: {  	_ =	shalt  }
0x51: {  	_ =	shalt  }
0x52: {  	_ =	shalt  }
0x53: {  	_ =	shalt  }
0x54: {  	_ =	shalt  }
0x55: {  	_ =	shalt  }
0x56: {  	_ =	shalt  }
0x57: {  	_ =	shalt  }
0x58: {  	_ =	shalt  }
0x59: {  	_ =	shalt  }
0x5a: {  	_ =	shalt  }
0x5b: {  	_ =	shalt  }
0x5c: {  	_ =	shalt  }
0x5d: {  	_ =	shalt  }
0x5e: {  	_ =	shalt  }
0x5f: {  	_ =	shalt  }
0x60: {  	_ =	shalt  }
0x61: {  	_ =	shalt  }
0x62: {  	_ =	shalt  }
0x63: {  	_ =	shalt  }
0x64: {  	_ =	shalt  }
0x65: {  	_ =	shalt  }
0x66: {  	_ =	shalt  }
0x67: {  	_ =	shalt  }
0x68: {  	_ =	shalt  }
0x69: {  	_ =	shalt  }
0x6a: {  	_ =	shalt  }
0x6b: {  	_ =	shalt  }
0x6c: {  	_ =	shalt  }
0x6d: {  	_ =	shalt  }
0x6e: {  	_ =	shalt  }
0x6f: {  	_ =	shalt  }
0x70: {  	_ =	shalt  }
0x71: {  	_ =	shalt  }
0x72: {  	_ =	shalt  }
0x73: {  	_ =	shalt  }
0x74: {  	_ =	shalt  }
0x75: {  	_ =	shalt  }
0x76: {  	_ =	shalt  }
0x77: {  	_ =	shalt  }
0x78: {  	_ =	shalt  }
0x79: {  	_ =	shalt  }
0x7a: {  	_ =	shalt  }
0x7b: {  	_ =	shalt  }
0x7c: {  	_ =	shalt  }
0x7d: {  	_ =	shalt  }
0x7e: {  	_ =	shalt  }
0x7f: {  	_ =	shalt  }
0x80: {  	_ =	shalt  }
0x81: {  	_ =	shalt  }
0x82: {  	_ =	shalt  }
0x83: {  	_ =	shalt  }
0x84: {  	_ =	shalt  }
0x85: {  	_ =	shalt  }
0x86: {  	_ =	shalt  }
0x87: {  	_ =	shalt  }
.Lfunc_end0:
.L_simem_size_0:
called_computation.1_lowered:
.L_overlay_start_0:
0x88: {  	s2 =	sld [smem:$0x3FD9]  }
0x89: {  	s3 =	sld [smem:$0x3FFE];
	_ =	sdelay $0x1  }
0x8a: {  	s1 =	srdreg.scid  }
0x8b: {  	s0 =	sand.u32 $0x1, s1  }
0x8c: {  	s17 =	sshll.u32 s0, $0xA;
	s2 =	sadd.s32 s3, s2  }
0x8d: {  	s2 =	sadd.s32 s2, s17  }
0x8e: {  	[smem:$0x3FB7] =	sst s2  }
0x8f: {  	_ = 	snop  }
0x90: {  	s2 =	sld [smem:$0x3FB9];
	(tm) =	ssettm $0x1  }
0x91: {  	s18 =	sld [smem:$0x3FFB];
	_ =	sdelay $0x3  }
0x92: {  	_ =	strace s18  }
0x93: {  	s3 =	sld [smem:$0x3FFC];
	_ =	sdelay $0x3  }
0x94: {  	_ =	strace s3  }
0x95: {  	s3 =	sld [smem:$0x3FFD];
	_ =	sdelay $0x3  }
0x96: {  	_ =	strace s3  }
0x97: {  	_ =	strace $0x8FFFFFFF  }
0x98: {  	s19 =	sld [smem:$0x3FDB];
	_ =	sdelay $0x1  }
0x99: {  	s4 =	simm.s32 $_scs_section_size  }
0x9a: {  	s5 =	simm.s32 $_size__tile_overlayer_lowered;
	s6 =	simm.s32 $_tile_overlayer_lowered  }
0x9b: {  	s22 =	simm.s32 $0x1BFF;
	s21 =	sshll.u32 s6, $0x1;
	s3 =	sadd.s32 s4, s19  }
0x9c: {  	s7 =	simm.s32 $0x0;
	s20 =	sshll.u32 s5, $0x1;
	s5 =	sadd.s32 s21, s3  }
0x9d: {  	[timem:s7], [sflag:s22] =	dma.local [hbm:s5], s20  }
0x9e: {  	_ =	swait.ge [sflag:s22], s20  }
0x9f: {  	s4 =	ssub.s32 $0x0, s20;
	[sflag:s22] =	ssyncset.done $0x0  }
0xa0: {  	[sflag:s22] =	ssyncadd.s32 s4;
	_ =	sdelay $0x1  }
0xa1: {  	s23 =	simm.s32 $0x1B8B  }
0xa2: {  	_ =	swait.ge [sflag:s23], $0x1  }
0xa3: {  	[sflag:s23] =	ssyncset.done $0x0  }
0xa4: {  	s25 =	simm.s32 $0x1B8E;
	s24 =	sld [smem:$0x3FFE];
	[sflag:s23] =	ssyncadd.s32 $0xFFFFFFFF  }
0xa5: {  	s26 =	simm.s32 $execute0_lowered;
	[smem:$0x3FD2] =	sst s25  }
0xa6: {  	s5 =	sshll.u32 s26, $0x1;
	_ =	strace $0x80000049;
	[dreg:$0x1] =	wrdreg $0xFFFFFFFF  }
0xa7: {  	s28 =	simm.s32 $_size_execute0_lowered;
	s3 =	sadd.s32 s3, s5;
	[dreg:$0x0] =	wrdreg $0x0  }
0xa8: {  	s5 =	sshll.u32 s28, $0x1;
	[dreg:$0x2] =	wrdreg s3  }
0xa9: {  	[dreg:$0x3] =	wrdreg s5  }
0xaa: {  	[dreg:$0x4] =	wrdreg $0xC0  }
0xab: {  	_ =	task [dreg:s7], $0x5FFFF  }
0xac: {  	[dreg:$0x1] =	wrdreg $0xFFFFFFFF  }
0xad: {  	[dreg:$0x0] =	wrdreg $0x60  }
0xae: {  	[dreg:$0x2] =	wrdreg s2  }
0xaf: {  	[dreg:$0x3] =	wrdreg s24  }
0xb0: {  	[dreg:$0x4] =	wrdreg $0x9  }
0xb1: {  	_ =	task.clear_ibuf [dreg:s7], $0x5FFFF;
	_ =	strace $0x90000049  }
0xb2: {  	s29 =	simm.s32 $0x9;
	_ =	strace $0x8000004B  }
0xb3: {  	_ =	swait.ge [sflag:s29], $0x1  }
0xb4: {  	[sflag:s29] =	ssyncadd.s32 $0xFFFFFFFF  }
0xb5: {  	_ =	strace $0x9000004B  }
0xb6: {  	_ =	sfence  }
0xb7: {  	s30 =	sld [smem:$0x0];
	_ =	sdelay $0x2  }
0xb8: {  	s31 =	sshll.u32 s1, $0xD;
	s1 =	sshrl.u32 s1, $0x2  }
0xb9: {  	s3 =	sand.u32 $0x4000, s31;
	s1 =	sadd.s32 s1, s30  }
0xba: {  	s0 =	sor.u32 s3, s0;
	s1 =	sshll.u32 s1, $0x11  }
0xbb: {  	s0 =	sor.u32 s1, s0  }
0xbc: {  	s0 =	sadd.s32 $0x8F2B, s0  }
0xbd: {  	[sflag:s0] =	ssyncadd.remote.s32 $0x1  }
0xbe: {  	_ =	sfence.sel $0xFFFF  }
0xbf: {  	[dreg:$0x0] =	wrdreg $0xFFFFFFFF;
	(pc) =	sbr.abs _section_cstart, $3  }
0xc0: {  	[dreg:$0x1] =	wrdreg $0xFFFFFFFF  }
0xc1: {  	_ =	task.clear_ibuf [dreg:s7], $0x2FFFF;
	_ =	strace $0x9FFFFFFF  }
0xc2: {  	(tm) =	ssettm $0x7FFFFFFF  }
0xc3: {  	_ =	shalt  }
tec
execute0_lowered:
.L_overlay_start_1:
0x0: {  	(tag) =	ssettag $0x1  }
0x1: {  	s1 =	srdreg.scid;
	s2 =	rddreg [dreg:$0x0]  }
0x2: {  	s0 =	stileid.u32;
	s3 =	rddreg [dreg:$0x1]  }
0x3: {  	s6 =	simm.s32 $0x1;
	s9 =	simm.s32 $0x1;
	s1 =	sshll.u32 s1, $0x6  }
0x4: {  	s10 =	simm.s32 $0x3;
	s4 =	sshll.u32 s0, $0x7;
	s5 =	sand.u32 $0x40, s1  }
0x5: {  	s13 =	simm.s32 $0x0;
	s12 =	simm.s32 $0x0;
	s4 =	sor.u32 s4, s5  }
0x6: {  	s1 =	rddreg [dreg:$0x2];
	_ =	strace $0x8000004A;
	s8 =	ssub.s32 $0xA80, s4  }
.Ltmp0:
0x7: {  	s5 =	sadd.s32 $0x200, s3;
	s7 =	sand.u32 $0x7C0, s8;
	(pc) =	sbr.rel .LBB2_1-.Ltmp0, $4  }
0x8: {  	[sflag:s6] =	ssyncpa.u1 $0x0;
	s11 =	smov.u32 s4;
	p0 =	sne.s32 s7, $0x0  }
0x9: {  	s8 =	sshrl.u32 s8, $0xB;
	s7 =	simm.s32 $0x2;
	s9 =	simm.s32 @!p0 $0x0  }
0xa: {  	[sflag:s7] =	ssyncpa.u1 $0x0;
	p0 =	por $0x0, $0x0;
	s8 =	sadd.s32 s9, s8  }
0xb: {  	vm0 =	vmmov $0xffff;
	[sflag:s10] =	ssyncpa.u1 $0x0;
	s10 =	simm.s32 $0x0;
	s9 =	sadd.s32 $0x1, s8  }
.LBB2_4:
0xc: {  	vm1 =	veq.s32 v0, $0x80000000;
	v63 =	vand.u32 $0xFF, v0;
	v2 =	vand.u32 $0x7F, v2  }
0xd: {  	v0 =	vsel vm1, $0xFFFFFFFF, v63;
	v2 =	vsel vm1, $0xFFFFFFFF, v2  }
0xe: {  	v3 =	vshll.u32 v2, $0x8;
	v4 =	vshll.u32 v0, $0x3  }
0xf: {  	v2 =	vshll.u32 v2, $0x7;
	v3 =	vand.u32 $0xFFFFF800, v3;
	v4 =	vand.u32 $0xFFFFFC00, v4  }
0x10: {  	v2 =	vand.u32 $0x380, v2;
	v3 =	vadd.s32 v4, v3  }
0x11: {  	v0 =	vand.u32 $0x7F, v0;
	v2 =	vor.u32 v2, v3  }
0x12: {  	v0 =	vor.u32 v0, v2;
	_ =	sdelay $0x1  }
0x13: {  	(ifvalue) =	ssetifvalue $0x7FFFFFFF;
	s14 =	sadd.s32 $0x10, s14  }
0x14: {  	[tilespmem:s14], [sflag:$0x1] =	stream.indirect_vreg.gather [hbm4b:s2+s10], $0x1, v1, vm0, $0x4038;
	[tilespmem:$0x100] =	vst v63  }
0x15: {  	(ifvalue) =	ssetifvalue $0x7FFFFFFF;
	s14 =	sadd.s32 $0x10, s14  }
0x16: {  	[tilespmem:s14], [sflag:$0x1] =	stream.indirect_vreg.gather [hbm4b:s2+s10], $0x1, v0, vm0, $0x4038;
	[tilespmem:$0x100] =	vst v63  }
0x17: {  	_ =	swait.ge [sflag:s6], $0x40  }
0x18: {  	s30 =	sshrl.u32 s13, $0x3;
	[sflag:s6] =	ssyncset.done $0x0  }
0x19: {  	s31 =	sand.u32 $0x7, s13;
	s14 =	sadd.s32 s5, s30;
	[sflag:s6] =	ssyncadd.s32 $0xFFFFFFC0  }
0x1a: {  	[hbm4b:s14+s31] =	stream.linear.scatter [tilespmem:s15], [sflag:$0x3], $0x40, $0x38;
	[tilespmem:$0x100] =	vst v63  }
.LBB2_5:
0x1b: {  	s15 =	sadd.s32 $0x800, s11  }
0x1c: {  	p2 =	sgt.s32 s15, $0xA7F  }
0x1d: {  	s15 =	smov.u32 @p2 s4;
	p2 =	sne.s32 s12, s9  }
.Ltmp1:
0x1e: {  	p1 =	slt.u32 s12, $0x2;
	(pc) =	sbr.rel @!p2 .LBB2_6-.Ltmp1, $4  }
0x1f: {  	s14 =	simm.s32 @!p1 $0x3  }
0x20: {  	s16 =	sadd.s32 $0x1, s12;
	_ =	swait.ge @!p1 [sflag:s14], $0x40  }
0x21: {  	s13 =	smov.u32 s11;
	p0 =	por !p0, !p0;
	[sflag:s14] =	ssyncset.done @!p1 $0x0  }
0x22: {  	s12 =	smov.u32 s16;
	s11 =	smov.u32 s15;
	[sflag:s14] =	ssyncadd.s32 @!p1 $0xFFFFFFC0  }
.LBB2_1:
0x23: {  	p1 =	sge.u32 s12, s8  }
0x24: {  	s14 =	sxor.u32 @!p1 $0xFFFFFFFF, s12  }
0x25: {  	s31 =	sadd.s32 $0xFFFFFFFF, s12;
	s15 =	sshrl.u32 @!p1 s11, $0x3;
	s14 =	sshll.u32 @!p1 s14, $0x6  }
0x26: {  	s16 =	sand.u32 @!p1 $0x7, s11;
	s15 =	sadd.s32 @!p1 s3, s15;
	s14 =	sand.u32 @!p1 $0x40, s14  }
0x27: {  	[tilespmem:s14], [sflag:$0x2] =	stream.linear.gather @!p1 [hbm4b:s15+s16], $0x40, $0x38;
	[tilespmem:$0x100] =	vst v63  }
0x28: {  	p1 =	sge.u32 s31, s8  }
.Ltmp2:
0x29: {  	_ = 	snop;
	(pc) =	sbr.rel @p1 .LBB2_5-.Ltmp2, $1  }
0x2a: {  	_ =	sdelay $0x3  }
0x2b: {  	s14 =	simm.s32 $0x1  }
0x2c: {  	_ =	swait.ge [sflag:s7], $0x40;
	s14 =	simm.s32 @!p0 $0x0  }
0x2d: {  	[sflag:s7] =	ssyncset.done $0x0;
	s14 =	sshll.u32 s14, $0x6  }
0x2e: {  	[sflag:s7] =	ssyncadd.s32 $0xFFFFFFC0;
	(ifvalue) =	ssetifvalue $0x7FFFFFFF;
	v0 =	vld.msk [tilespmem:s14+$0x0 ss:$0x1], $0xffff;
	_ =	sdelay $0x4  }
0x2f: {  	s15 =	sadd.s32 $0x10, s14;
	v1 =	vshrl.u32 v0, $0x8  }
0x30: {  	v2 =	vld.msk [tilespmem:s15+$0x0 ss:$0x1], $0xffff;
	vm1 =	veq.s32 v0, $0x80000000;
	v0 =	vand.u32 $0xFF, v0;
	v1 =	vand.u32 $0x7F, v1  }
0x31: {  	v0 =	vsel vm1, $0xFFFFFFFF, v0;
	v1 =	vsel vm1, $0xFFFFFFFF, v1  }
0x32: {  	v4 =	vshll.u32 v0, $0x3;
	v3 =	vshll.u32 v1, $0x8  }
0x33: {  	v4 =	vand.u32 $0xFFFFFC00, v4;
	v1 =	vshll.u32 v1, $0x7;
	v3 =	vand.u32 $0xFFFFF800, v3  }
0x34: {  	v0 =	vand.u32 $0x7F, v0;
	v1 =	vand.u32 $0x380, v1;
	v3 =	vadd.s32 v4, v3  }
0x35: {  	vm1 =	veq.s32 v2, $0x80000000;
	v1 =	vor.u32 v1, v3;
	v3 =	vshrl.u32 v2, $0x8  }
0x36: {  	s17 =	sadd.s32 $0x10, s15;
	v2 =	vand.u32 $0xFF, v2;
	v1 =	vor.u32 v0, v1;
	v3 =	vand.u32 $0x7F, v3  }
0x37: {  	v0 =	vld.msk [tilespmem:s17+$0x0 ss:$0x1], $0xffff;
	v2 =	vsel vm1, $0xFFFFFFFF, v2;
	v3 =	vsel vm1, $0xFFFFFFFF, v3  }
0x38: {  	v5 =	vshll.u32 v2, $0x3;
	v63 =	vshll.u32 v3, $0x8  }
0x39: {  	s31 =	sshll.u32 s12, $0x6;
	v5 =	vand.u32 $0xFFFFFC00, v5;
	v3 =	vshll.u32 v3, $0x7;
	v4 =	vand.u32 $0xFFFFF800, v63  }
0x3a: {  	s14 =	sor.u32 $0x80, s14;
	s15 =	sand.u32 $0x40, s31;
	(ifvalue) =	ssetifvalue $0x7FFFFFFF;
	v3 =	vand.u32 $0x380, v3;
	v4 =	vadd.s32 v5, v4  }
0x3b: {  	[tilespmem:s14], [sflag:$0x1] =	stream.indirect_vreg.gather [hbm4b:s2+s10], $0x1, v1, vm0, $0x4038;
	v1 =	vand.u32 $0x7F, v2;
	v3 =	vor.u32 v3, v4;
	[tilespmem:$0x100] =	vst v63  }
0x3c: {  	s16 =	simm.s32 $0x20;
	s15 =	sor.u32 $0x80, s15;
	s17 =	sadd.s32 $0x10, s17;
	v2 =	vshrl.u32 v0, $0x8;
	v1 =	vor.u32 v1, v3  }
.LBB2_3:
0x3d: {  	s16 =	sadd.s32 $0x10, s16;
	vm1 =	veq.s32 v0, $0x80000000;
	v3 =	vand.u32 $0xFF, v0;
	v0 =	vld.msk [tilespmem:s17+$0x0 ss:$0x1], $0xffff;
	v2 =	vand.u32 $0x7F, v2  }
0x3e: {  	p1 =	slt.u32 s16, $0x30;
	v3 =	vsel vm1, $0xFFFFFFFF, v3;
	v2 =	vsel vm1, $0xFFFFFFFF, v2  }
.Ltmp3:
0x3f: {  	v4 =	vshll.u32 v2, $0x8;
	v5 =	vshll.u32 v3, $0x3;
	(pc) =	sbr.rel @p1 .LBB2_3-.Ltmp3, $4  }
0x40: {  	s14 =	sadd.s32 $0x10, s14;
	v2 =	vshll.u32 v2, $0x7;
	v4 =	vand.u32 $0xFFFFF800, v4;
	v5 =	vand.u32 $0xFFFFFC00, v5;
	(ifvalue) =	ssetifvalue $0x7FFFFFFF  }
0x41: {  	v2 =	vand.u32 $0x380, v2;
	v4 =	vadd.s32 v5, v4;
	[tilespmem:s14], [sflag:$0x1] =	stream.indirect_vreg.gather [hbm4b:s2+s10], $0x1, v1, vm0, $0x4038;
	[tilespmem:$0x100] =	vst v63  }
0x42: {  	v1 =	vand.u32 $0x7F, v3;
	v3 =	vor.u32 v2, v4  }
0x43: {  	s17 =	sadd.s32 $0x10, s17;
	v2 =	vshrl.u32 v0, $0x8;
	v1 =	vor.u32 v1, v3  }
.Ltmp4:
0x44: {  	_ = 	snop;
	(pc) =	sbr.rel .LBB2_4-.Ltmp4, $1  }
0x45: {  	_ =	sdelay $0x3  }
.LBB2_6:
0x46: {  	_ =	sfence.sel $0x180000  }
0x47: {  	s2 =	simm.s32 $0x2;
	[bflag:$0x0] =	sbarrier.arrive $0xFFFF  }
0x48: {  	s30 =	simm.s32 $0x3;
	[sflag:s2] =	ssyncpa.u1 $0x1  }
0x49: {  	s31 =	simm.s32 $0x1;
	[sflag:s30] =	ssyncpa.u1 $0x1  }
0x4a: {  	[sflag:s31] =	ssyncpa.u1 $0x1  }
0x4b: {  	p0 =	sne.s32 s0, $0x0;
	_ =	strace $0x9000004A  }
0x4c: {  	s0 =	sadd.s32 @!p0 $0x100000, s1;
	[bflag:$0x2] =	sbarrier.arrive $0xFFFF  }
0x4d: {  	[sflag:s0] =	ssyncadd.tile.s32 @!p0 $0x1;
	_ =	shalt  }
.Lfunc_end2:
_tile_overlayer_lowered:
.L_overlay_start_2:
0x4e: {  	(tag) =	ssettag $0x2  }
0x4f: {  	s0 =	rddreg [dreg:$0x0];
	s2 =	stileid.u32  }
0x50: {  	s1 =	rddreg [dreg:$0x1];
	p0 =	sne.s32 s2, $0x0  }
0x51: {  	s3 =	rddreg [dreg:$0x2];
	[bflag:$0x3] =	sbarrier.arrive $0xFFFF;
	s2 =	simm.s32 @!p0 $0x1C01  }
0x52: {  	[timem:s3], [sflag:s2] =	dma.local @!p0 [hbm:s0], s1  }
0x53: {  	s0 =	simm.s32 @!p0 $0x1  }
0x54: {  	_ =	swait.ge @!p0 [sflag:s0], s1  }
0x55: {  	s1 =	ssub.s32 @!p0 $0x0, s1;
	[sflag:s0] =	ssyncset.done @!p0 $0x0  }
0x56: {  	[sflag:s0] =	ssyncadd.s32 @!p0 s1  }
0x57: {  	[bflag:$0x3] =	sbarrier.arrive $0xFFFF  }
0x58: {  	_ =	shalt  }

// kernel: gather_offload_async_start
scs
__scs_entry_jumppad:
0x0: {  	(pc) =	sbr.rel $0x88, $3  }
0x1: {  	(tag) =	ssettag $0x0;
	lr =	simm.s32 $0x1  }
0x2: {  	[smem:$0x3F90] =	sst lr;
	_ =	strace $0xD0000000  }
0x3: {  	_ = 	snop  }
0x4: {  	_ = 	snop  }
0x5: {  	_ = 	snop  }
0x6: {  	_ = 	snop  }
0x7: {  	_ = 	snop  }
__scs_overlays_trampoline_lowered:
0x8: {  	[smem:$0x3F9F] =	sst s0  }
0x9: {  	[smem:$0x3FA0] =	sst s1  }
0xa: {  	[smem:$0x3FA1] =	sst s2  }
0xb: {  	[smem:$0x3FA2] =	sst s3  }
0xc: {  	[smem:$0x3FA3] =	sst s4  }
0xd: {  	[smem:$0x3FA4] =	sst s5  }
0xe: {  	[smem:$0x3FA5] =	sst s6  }
0xf: {  	[smem:$0x3FA6] =	sst s7  }
0x10: {  	[smem:$0x3FA7] =	sst s8  }
0x11: {  	[smem:$0x3FA8] =	sst s9;
	s0 =	simm.s32 @!p0 $0x0  }
0x12: {  	s1 =	sld [smem:$0x3F8E];
	s0 =	simm.s32 @p0 $0x1  }
0x13: {  	[smem:$0x3FA9] =	sst s0;
	s0 =	simm.s32 @!p1 $0x0  }
0x14: {  	s2 =	sld [smem:$0x3F8D];
	s0 =	simm.s32 @p1 $0x1  }
0x15: {  	[smem:$0x3FAA] =	sst s0;
	s0 =	simm.s32 @!p2 $0x0  }
0x16: {  	s3 =	sld [smem:$0x3FDB];
	s0 =	simm.s32 @p2 $0x1  }
0x17: {  	s4 =	simm.s32 $0x1BF5;
	[smem:$0x3FAC] =	sst s0  }
0x18: {  	s0 =	sld [smem:$0x3F8F];
	_ =	swait.ge [sflag:s4], $0x0  }
0x19: {  	s7 =	sld [smem:$0x3F90]  }
0x1a: {  	s8 =	sadd.s32 $0xFFFFE003, lr  }
0x1b: {  	s9 =	sadd.s32 $0xFFFFFEF7, lr;
	s5 =	simm.s32 $0xFFFFFFFF;
	p2 =	slt.u32 s8, $0xFFFFF086  }
0x1c: {  	p1 =	slt.u32 s9, $0xF7A;
	s5 =	simm.s32 @!p2 $0x0  }
0x1d: {  	s5 =	simm.s32 @p1 $0x1;
	p0 =	seq.s32 s7, s2  }
0x1e: {  	s7 =	smul.u32 @!p0 $0xF7A, s2;
	p2 =	seq.s32 @!p0 s5, $0x0  }
0x1f: {  	s9 =	smul.u32 $0xF7A, s1;
	s8 =	simm.s32 @!p0 $0x1BF5;
	p2 =	por !p2, p0  }
0x20: {  	[sflag:s8] =	ssyncset.s32 @!p0 $0xFFFFF086;
	s6 =	sadd.s32 @!p0 s3, s7;
	s7 =	simm.s32 @!p0 $0x108  }
0x21: {  	s3 =	sadd.s32 s3, s9;
	s6 =	sadd.s32 @!p0 $0x88, s6;
	s7 =	simm.s32 @p2 $0x1082  }
0x22: {  	[simem:s7], [sflag:s8] =	dma.local @!p0 [hbm:s6], $0xF7A  }
0x23: {  	s9 =	sor.u32 $0xD0000000, s2;
	s6 =	simm.s32 $0x108;
	_ =	swait.ge @!p0 [sflag:s8], $0x0  }
0x24: {  	s3 =	sadd.s32 $0x88, s3;
	s6 =	simm.s32 @!p1 $0x1082;
	[sflag:s4] =	ssyncset.s32 $0xFFFFF086  }
0x25: {  	[simem:s6], [sflag:s4] =	dma.local [hbm:s3], $0xF7A  }
0x26: {  	[smem:$0x3F90] =	sst s1;
	(tag) =	ssettag s2;
	_ =	strace s9  }
0x27: {  	s1 =	sld [smem:$0x3FA0]  }
0x28: {  	s2 =	sld [smem:$0x3FA1]  }
0x29: {  	s4 =	sld [smem:$0x3FA3]  }
0x2a: {  	p0 =	seq.s32 s5, $0x0;
	s5 =	sld [smem:$0x3FA4]  }
0x2b: {  	s6 =	sld [smem:$0x3FA5]  }
0x2c: {  	s7 =	sld [smem:$0x3FA6]  }
0x2d: {  	s3 =	simm.s32 $0x108;
	s8 =	sld [smem:$0x3FA7]  }
0x2e: {  	s3 =	simm.s32 @!p0 $0x1082;
	s9 =	sld [smem:$0x3FA8]  }
0x2f: {  	lr =	sadd.s32 s0, s3;
	s0 =	sld [smem:$0x3F9F]  }
0x30: {  	s3 =	sld [smem:$0x3FA2]  }
0x31: {  	[smem:$0x3FAB] =	sst s10  }
0x32: {  	s10 =	sld [smem:$0x3FA9];
	_ =	sdelay $0x3  }
0x33: {  	p0 =	seq.s32 s10, $0x1;
	s10 =	sld [smem:$0x3FAB];
	_ =	sdelay $0x3  }
0x34: {  	[smem:$0x3FAB] =	sst s10  }
0x35: {  	s10 =	sld [smem:$0x3FAA];
	_ =	sdelay $0x3  }
0x36: {  	p1 =	seq.s32 s10, $0x1;
	s10 =	sld [smem:$0x3FAB];
	_ =	sdelay $0x3  }
0x37: {  	[smem:$0x3FAB] =	sst s10  }
0x38: {  	s10 =	sld [smem:$0x3FAC]  }
0x39: {  	_ = 	snop;
	(pc) =	sbr.ind lr, $3  }
0x3a: {  	_ = 	snop  }
0x3b: {  	_ = 	snop  }
0x3c: {  	p2 =	seq.s32 s10, $0x1;
	s10 =	sld [smem:$0x3FAB]  }
0x3d: {  	_ =	shalt  }
0x3e: {  	_ =	shalt  }
0x3f: {  	_ =	shalt  }
0x40: {  	_ =	shalt  }
0x41: {  	_ =	shalt  }
0x42: {  	_ =	shalt  }
0x43: {  	_ =	shalt  }
0x44: {  	_ =	shalt  }
0x45: {  	_ =	shalt  }
0x46: {  	_ =	shalt  }
0x47: {  	_ =	shalt  }
0x48: {  	_ =	shalt  }
0x49: {  	_ =	shalt  }
0x4a: {  	_ =	shalt  }
0x4b: {  	_ =	shalt  }
0x4c: {  	_ =	shalt  }
0x4d: {  	_ =	shalt  }
0x4e: {  	_ =	shalt  }
0x4f: {  	_ =	shalt  }
0x50: {  	_ =	shalt  }
0x51: {  	_ =	shalt  }
0x52: {  	_ =	shalt  }
0x53: {  	_ =	shalt  }
0x54: {  	_ =	shalt  }
0x55: {  	_ =	shalt  }
0x56: {  	_ =	shalt  }
0x57: {  	_ =	shalt  }
0x58: {  	_ =	shalt  }
0x59: {  	_ =	shalt  }
0x5a: {  	_ =	shalt  }
0x5b: {  	_ =	shalt  }
0x5c: {  	_ =	shalt  }
0x5d: {  	_ =	shalt  }
0x5e: {  	_ =	shalt  }
0x5f: {  	_ =	shalt  }
0x60: {  	_ =	shalt  }
0x61: {  	_ =	shalt  }
0x62: {  	_ =	shalt  }
0x63: {  	_ =	shalt  }
0x64: {  	_ =	shalt  }
0x65: {  	_ =	shalt  }
0x66: {  	_ =	shalt  }
0x67: {  	_ =	shalt  }
0x68: {  	_ =	shalt  }
0x69: {  	_ =	shalt  }
0x6a: {  	_ =	shalt  }
0x6b: {  	_ =	shalt  }
0x6c: {  	_ =	shalt  }
0x6d: {  	_ =	shalt  }
0x6e: {  	_ =	shalt  }
0x6f: {  	_ =	shalt  }
0x70: {  	_ =	shalt  }
0x71: {  	_ =	shalt  }
0x72: {  	_ =	shalt  }
0x73: {  	_ =	shalt  }
0x74: {  	_ =	shalt  }
0x75: {  	_ =	shalt  }
0x76: {  	_ =	shalt  }
0x77: {  	_ =	shalt  }
0x78: {  	_ =	shalt  }
0x79: {  	_ =	shalt  }
0x7a: {  	_ =	shalt  }
0x7b: {  	_ =	shalt  }
0x7c: {  	_ =	shalt  }
0x7d: {  	_ =	shalt  }
0x7e: {  	_ =	shalt  }
0x7f: {  	_ =	shalt  }
0x80: {  	_ =	shalt  }
0x81: {  	_ =	shalt  }
0x82: {  	_ =	shalt  }
0x83: {  	_ =	shalt  }
0x84: {  	_ =	shalt  }
0x85: {  	_ =	shalt  }
0x86: {  	_ =	shalt  }
0x87: {  	_ =	shalt  }
.Lfunc_end0:
.L_simem_size_0:
called_computation_lowered:
.L_overlay_start_0:
0x88: {  	s2 =	sld [smem:$0x3FD9]  }
0x89: {  	s3 =	sld [smem:$0x3FFE];
	_ =	sdelay $0x1  }
0x8a: {  	s1 =	srdreg.scid  }
0x8b: {  	s0 =	sand.u32 $0x1, s1  }
0x8c: {  	s17 =	sshll.u32 s0, $0xA;
	s2 =	sadd.s32 s3, s2  }
0x8d: {  	s2 =	sadd.s32 s2, s17  }
0x8e: {  	[smem:$0x3FB7] =	sst s2  }
0x8f: {  	_ = 	snop  }
0x90: {  	s2 =	sld [smem:$0x3FBA];
	(tm) =	ssettm $0x1  }
0x91: {  	s18 =	sld [smem:$0x3FFB];
	_ =	sdelay $0x3  }
0x92: {  	_ =	strace s18  }
0x93: {  	s3 =	sld [smem:$0x3FFC];
	_ =	sdelay $0x3  }
0x94: {  	_ =	strace s3  }
0x95: {  	s3 =	sld [smem:$0x3FFD];
	_ =	sdelay $0x3  }
0x96: {  	_ =	strace s3  }
0x97: {  	_ =	strace $0x8FFFFFFF  }
0x98: {  	s19 =	sld [smem:$0x3FDB];
	_ =	sdelay $0x1  }
0x99: {  	s4 =	simm.s32 $_scs_section_size  }
0x9a: {  	s5 =	simm.s32 $_size__tile_overlayer_lowered;
	s6 =	simm.s32 $_tile_overlayer_lowered  }
0x9b: {  	s22 =	simm.s32 $0x1BFF;
	s21 =	sshll.u32 s6, $0x1;
	s3 =	sadd.s32 s4, s19  }
0x9c: {  	s7 =	simm.s32 $0x0;
	s20 =	sshll.u32 s5, $0x1;
	s5 =	sadd.s32 s21, s3  }
0x9d: {  	[timem:s7], [sflag:s22] =	dma.local [hbm:s5], s20  }
0x9e: {  	_ =	swait.ge [sflag:s22], s20  }
0x9f: {  	s4 =	ssub.s32 $0x0, s20;
	[sflag:s22] =	ssyncset.done $0x0  }
0xa0: {  	[sflag:s22] =	ssyncadd.s32 s4;
	_ =	sdelay $0x1  }
0xa1: {  	s23 =	simm.s32 $0x1B8B  }
0xa2: {  	_ =	swait.ge [sflag:s23], $0x1  }
0xa3: {  	[sflag:s23] =	ssyncset.done $0x0  }
0xa4: {  	s25 =	simm.s32 $0x1B8E;
	s24 =	sld [smem:$0x3FFE];
	[sflag:s23] =	ssyncadd.s32 $0xFFFFFFFF  }
0xa5: {  	s26 =	simm.s32 $execute0_lowered;
	[smem:$0x3FD2] =	sst s25  }
0xa6: {  	s5 =	sshll.u32 s26, $0x1;
	_ =	strace $0x80000046;
	[dreg:$0x1] =	wrdreg $0xFFFFFFFF  }
0xa7: {  	s28 =	simm.s32 $_size_execute0_lowered;
	s3 =	sadd.s32 s3, s5;
	[dreg:$0x0] =	wrdreg $0x0  }
0xa8: {  	s5 =	sshll.u32 s28, $0x1;
	[dreg:$0x2] =	wrdreg s3  }
0xa9: {  	[dreg:$0x3] =	wrdreg s5  }
0xaa: {  	[dreg:$0x4] =	wrdreg $0xC0  }
0xab: {  	_ =	task [dreg:s7], $0x5FFFF  }
0xac: {  	[dreg:$0x1] =	wrdreg $0xFFFFFFFF  }
0xad: {  	[dreg:$0x0] =	wrdreg $0x60  }
0xae: {  	[dreg:$0x2] =	wrdreg s2  }
0xaf: {  	[dreg:$0x3] =	wrdreg s24  }
0xb0: {  	[dreg:$0x4] =	wrdreg $0x9  }
0xb1: {  	_ =	task.clear_ibuf [dreg:s7], $0x5FFFF;
	_ =	strace $0x90000046  }
0xb2: {  	s29 =	simm.s32 $0x9;
	_ =	strace $0x80000048  }
0xb3: {  	_ =	swait.ge [sflag:s29], $0x1  }
0xb4: {  	[sflag:s29] =	ssyncadd.s32 $0xFFFFFFFF  }
0xb5: {  	_ =	strace $0x90000048  }
0xb6: {  	_ =	sfence  }
0xb7: {  	s30 =	sld [smem:$0x0];
	_ =	sdelay $0x2  }
0xb8: {  	s31 =	sshll.u32 s1, $0xD;
	s1 =	sshrl.u32 s1, $0x2  }
0xb9: {  	s3 =	sand.u32 $0x4000, s31;
	s1 =	sadd.s32 s1, s30  }
0xba: {  	s0 =	sor.u32 s3, s0;
	s1 =	sshll.u32 s1, $0x11  }
0xbb: {  	s0 =	sor.u32 s1, s0  }
0xbc: {  	s0 =	sadd.s32 $0x8F2B, s0  }
0xbd: {  	[sflag:s0] =	ssyncadd.remote.s32 $0x1  }
0xbe: {  	_ =	sfence.sel $0xFFFF  }
0xbf: {  	[dreg:$0x0] =	wrdreg $0xFFFFFFFF;
	(pc) =	sbr.abs _section_cstart, $3  }
0xc0: {  	[dreg:$0x1] =	wrdreg $0xFFFFFFFF  }
0xc1: {  	_ =	task.clear_ibuf [dreg:s7], $0x2FFFF;
	_ =	strace $0x9FFFFFFF  }
0xc2: {  	(tm) =	ssettm $0x7FFFFFFF  }
0xc3: {  	_ =	shalt  }
tec
execute0_lowered:
.L_overlay_start_1:
0x0: {  	(tag) =	ssettag $0x1  }
0x1: {  	s2 =	rddreg [dreg:$0x0];
	s0 =	stileid.u32  }
0x2: {  	s1 =	srdreg.scid;
	s8 =	rddreg [dreg:$0x1]  }
0x3: {  	s5 =	simm.s32 $0x1;
	s9 =	simm.s32 $0x1;
	s10 =	simm.s32 $0x3  }
0x4: {  	s13 =	simm.s32 $0x0;
	s3 =	sand.u32 $0x1, s1;
	s4 =	sshll.u32 s0, $0x1  }
0x5: {  	s12 =	simm.s32 $0x0;
	s1 =	rddreg [dreg:$0x2];
	s6 =	sor.u32 s4, s3  }
0x6: {  	_ =	strace $0x80000047;
	s3 =	sadd.s32 $0x400, s8;
	s4 =	smul.u32 $0x60, s6  }
0x7: {  	[sflag:s5] =	ssyncpa.u1 $0x0;
	p0 =	slt.u32 s6, $0x9;
	s6 =	simm.s32 $0xC00  }
.Ltmp0:
0x8: {  	s6 =	simm.s32 @!p0 $0x0;
	s7 =	ssub.s32 $0xF00, s4;
	(pc) =	sbr.rel .LBB2_1-.Ltmp0, $4  }
0x9: {  	s9 =	simm.s32 @!p0 $0x0;
	p0 =	sne.s32 s7, s6;
	s7 =	simm.s32 $0x1  }
0xa: {  	s8 =	sadd.s32 $0x600, s8;
	s6 =	simm.s32 $0x2;
	s7 =	simm.s32 @!p0 $0x0  }
0xb: {  	s11 =	smov.u32 s4;
	[sflag:s6] =	ssyncpa.u1 $0x0;
	s7 =	sadd.s32 s9, s7  }
0xc: {  	vm0 =	vmmov $0xffff;
	[sflag:s10] =	ssyncpa.u1 $0x0;
	s10 =	simm.s32 $0x0;
	s9 =	sadd.s32 $0x1, s7  }
.LBB2_4:
0xd: {  	vm1 =	veq.s32 v0, $0x80000000;
	v63 =	vand.u32 $0xFF, v0;
	v2 =	vand.u32 $0x7F, v2  }
0xe: {  	v0 =	vsel vm1, $0xFFFFFFFF, v63;
	v2 =	vsel vm1, $0xFFFFFFFF, v2  }
0xf: {  	v3 =	vshll.u32 v2, $0x8;
	v4 =	vshll.u32 v0, $0x3  }
0x10: {  	v2 =	vshll.u32 v2, $0x7;
	v3 =	vand.u32 $0xFFFFF800, v3;
	v4 =	vand.u32 $0xFFFFFC00, v4  }
0x11: {  	v2 =	vand.u32 $0x380, v2;
	v3 =	vadd.s32 v4, v3  }
0x12: {  	v0 =	vand.u32 $0x7F, v0;
	v2 =	vor.u32 v2, v3  }
0x13: {  	v0 =	vor.u32 v0, v2;
	_ =	sdelay $0x1  }
0x14: {  	(ifvalue) =	ssetifvalue $0x7FFFFFFF;
	s15 =	sadd.s32 $0x10, s15  }
0x15: {  	[tilespmem:s15], [sflag:$0x1] =	stream.indirect_vreg.gather [hbm4b:s2+s10], $0x1, v1, vm0, $0x4038;
	[tilespmem:$0x180] =	vst v63  }
0x16: {  	(ifvalue) =	ssetifvalue $0x7FFFFFFF;
	s15 =	sadd.s32 $0x10, s15  }
0x17: {  	[tilespmem:s15], [sflag:$0x1] =	stream.indirect_vreg.gather [hbm4b:s2+s10], $0x1, v0, vm0, $0x4038;
	[tilespmem:$0x180] =	vst v63  }
0x18: {  	_ =	swait.ge [sflag:s5], $0x60  }
0x19: {  	s30 =	sshrl.u32 s13, $0x3;
	[sflag:s5] =	ssyncset.done $0x0  }
0x1a: {  	s31 =	sand.u32 $0x7, s13;
	s15 =	sadd.s32 s8, s30;
	[sflag:s5] =	ssyncadd.s32 $0xFFFFFFA0  }
0x1b: {  	[hbm4b:s15+s31] =	stream.linear.scatter [tilespmem:s14], [sflag:$0x3], $0x60, $0x38;
	[tilespmem:$0x180] =	vst v63  }
.LBB2_5:
0x1c: {  	s15 =	sadd.s32 $0xC00, s11  }
0x1d: {  	p1 =	sgt.s32 s15, $0xEFF  }
0x1e: {  	s15 =	smov.u32 @p1 s4;
	p1 =	sne.s32 s12, s9  }
.Ltmp1:
0x1f: {  	p0 =	slt.u32 s12, $0x2;
	(pc) =	sbr.rel @!p1 .LBB2_6-.Ltmp1, $4  }
0x20: {  	s14 =	simm.s32 @!p0 $0x3  }
0x21: {  	_ =	swait.ge @!p0 [sflag:s14], $0x60  }
0x22: {  	s16 =	sadd.s32 $0x1, s12;
	s13 =	smov.u32 s11;
	[sflag:s14] =	ssyncset.done @!p0 $0x0  }
0x23: {  	s12 =	smov.u32 s16;
	s11 =	smov.u32 s15;
	[sflag:s14] =	ssyncadd.s32 @!p0 $0xFFFFFFA0  }
.LBB2_1:
0x24: {  	p0 =	sge.u32 s12, s7  }
0x25: {  	s14 =	sxor.u32 @!p0 $0x1, s12  }
0x26: {  	s14 =	smul.u32 @!p0 $0x180, s14  }
0x27: {  	s31 =	sadd.s32 $0xFFFFFFFF, s12;
	s15 =	sshrl.u32 @!p0 s11, $0x3  }
0x28: {  	s16 =	sand.u32 @!p0 $0x7, s11;
	s15 =	sadd.s32 @!p0 s3, s15;
	s14 =	sshra.s32 @!p0 s14, $0x2  }
0x29: {  	[tilespmem:s14], [sflag:$0x2] =	stream.linear.gather @!p0 [hbm4b:s15+s16], $0x60, $0x38;
	[tilespmem:$0x180] =	vst v63  }
0x2a: {  	p0 =	sge.u32 s31, s7  }
.Ltmp2:
0x2b: {  	_ = 	snop;
	(pc) =	sbr.rel @p0 .LBB2_5-.Ltmp2, $1  }
0x2c: {  	_ =	sdelay $0x3  }
0x2d: {  	s14 =	sand.u32 $0x1, s12  }
0x2e: {  	_ =	swait.ge [sflag:s6], $0x60;
	p0 =	seq.s32 s14, $0x1;
	s14 =	simm.s32 $0x60  }
0x2f: {  	[sflag:s6] =	ssyncset.done $0x0;
	s14 =	simm.s32 @!p0 $0x0  }
0x30: {  	[sflag:s6] =	ssyncadd.s32 $0xFFFFFFA0;
	(ifvalue) =	ssetifvalue $0x7FFFFFFF;
	v0 =	vld.msk [tilespmem:s14+$0x0 ss:$0x1], $0xffff;
	_ =	sdelay $0x4  }
0x31: {  	s15 =	sadd.s32 $0x10, s14;
	v1 =	vshrl.u32 v0, $0x8  }
0x32: {  	v2 =	vld.msk [tilespmem:s15+$0x0 ss:$0x1], $0xffff;
	vm1 =	veq.s32 v0, $0x80000000;
	v0 =	vand.u32 $0xFF, v0;
	v1 =	vand.u32 $0x7F, v1  }
0x33: {  	v0 =	vsel vm1, $0xFFFFFFFF, v0;
	v1 =	vsel vm1, $0xFFFFFFFF, v1  }
0x34: {  	v4 =	vshll.u32 v0, $0x3;
	v3 =	vshll.u32 v1, $0x8  }
0x35: {  	v4 =	vand.u32 $0xFFFFFC00, v4;
	v1 =	vshll.u32 v1, $0x7;
	v3 =	vand.u32 $0xFFFFF800, v3  }
0x36: {  	v0 =	vand.u32 $0x7F, v0;
	v1 =	vand.u32 $0x380, v1;
	v3 =	vadd.s32 v4, v3  }
0x37: {  	vm1 =	veq.s32 v2, $0x80000000;
	v1 =	vor.u32 v1, v3;
	v3 =	vshrl.u32 v2, $0x8  }
0x38: {  	s15 =	sadd.s32 $0x10, s15;
	v2 =	vand.u32 $0xFF, v2;
	v1 =	vor.u32 v0, v1;
	v3 =	vand.u32 $0x7F, v3  }
0x39: {  	v0 =	vld.msk [tilespmem:s15+$0x0 ss:$0x1], $0xffff;
	v2 =	vsel vm1, $0xFFFFFFFF, v2;
	v3 =	vsel vm1, $0xFFFFFFFF, v3  }
0x3a: {  	v5 =	vshll.u32 v2, $0x3;
	v63 =	vshll.u32 v3, $0x8  }
0x3b: {  	v5 =	vand.u32 $0xFFFFFC00, v5;
	v3 =	vshll.u32 v3, $0x7;
	v4 =	vand.u32 $0xFFFFF800, v63  }
0x3c: {  	s14 =	sadd.s32 $0xC0, s14;
	(ifvalue) =	ssetifvalue $0x7FFFFFFF;
	v3 =	vand.u32 $0x380, v3;
	v4 =	vadd.s32 v5, v4  }
0x3d: {  	[tilespmem:s14], [sflag:$0x1] =	stream.indirect_vreg.gather [hbm4b:s2+s10], $0x1, v1, vm0, $0x4038;
	v1 =	vand.u32 $0x7F, v2;
	v3 =	vor.u32 v3, v4;
	[tilespmem:$0x180] =	vst v63  }
0x3e: {  	s16 =	simm.s32 $0x20;
	s17 =	sadd.s32 $0x10, s15;
	s15 =	smov.u32 s14;
	v2 =	vshrl.u32 v0, $0x8;
	v1 =	vor.u32 v1, v3  }
.LBB2_3:
0x3f: {  	s16 =	sadd.s32 $0x10, s16;
	vm1 =	veq.s32 v0, $0x80000000;
	v3 =	vand.u32 $0xFF, v0;
	v0 =	vld.msk [tilespmem:s17+$0x0 ss:$0x1], $0xffff;
	v2 =	vand.u32 $0x7F, v2  }
0x40: {  	p0 =	slt.u32 s16, $0x50;
	v3 =	vsel vm1, $0xFFFFFFFF, v3;
	v2 =	vsel vm1, $0xFFFFFFFF, v2  }
.Ltmp3:
0x41: {  	v4 =	vshll.u32 v2, $0x8;
	v5 =	vshll.u32 v3, $0x3;
	(pc) =	sbr.rel @p0 .LBB2_3-.Ltmp3, $4  }
0x42: {  	s15 =	sadd.s32 $0x10, s15;
	v2 =	vshll.u32 v2, $0x7;
	v4 =	vand.u32 $0xFFFFF800, v4;
	v5 =	vand.u32 $0xFFFFFC00, v5;
	(ifvalue) =	ssetifvalue $0x7FFFFFFF  }
0x43: {  	v2 =	vand.u32 $0x380, v2;
	v4 =	vadd.s32 v5, v4;
	[tilespmem:s15], [sflag:$0x1] =	stream.indirect_vreg.gather [hbm4b:s2+s10], $0x1, v1, vm0, $0x4038;
	[tilespmem:$0x180] =	vst v63  }
0x44: {  	v1 =	vand.u32 $0x7F, v3;
	v3 =	vor.u32 v2, v4  }
0x45: {  	s17 =	sadd.s32 $0x10, s17;
	v2 =	vshrl.u32 v0, $0x8;
	v1 =	vor.u32 v1, v3  }
.Ltmp4:
0x46: {  	_ = 	snop;
	(pc) =	sbr.rel .LBB2_4-.Ltmp4, $1  }
0x47: {  	_ =	sdelay $0x3  }
.LBB2_6:
0x48: {  	_ =	sfence.sel $0x180000  }
0x49: {  	s2 =	simm.s32 $0x2;
	[bflag:$0x0] =	sbarrier.arrive $0xFFFF  }
0x4a: {  	s30 =	simm.s32 $0x3;
	[sflag:s2] =	ssyncpa.u1 $0x1  }
0x4b: {  	s31 =	simm.s32 $0x1;
	[sflag:s30] =	ssyncpa.u1 $0x1  }
0x4c: {  	[sflag:s31] =	ssyncpa.u1 $0x1  }
0x4d: {  	p0 =	sne.s32 s0, $0x0;
	_ =	strace $0x90000047  }
0x4e: {  	s0 =	sadd.s32 @!p0 $0x100000, s1;
	[bflag:$0x2] =	sbarrier.arrive $0xFFFF  }
0x4f: {  	[sflag:s0] =	ssyncadd.tile.s32 @!p0 $0x1;
	_ =	shalt  }
.Lfunc_end2:
_tile_overlayer_lowered:
.L_overlay_start_2:
0x50: {  	(tag) =	ssettag $0x2  }
0x51: {  	s0 =	rddreg [dreg:$0x0];
	s2 =	stileid.u32  }
0x52: {  	s1 =	rddreg [dreg:$0x1];
	p0 =	sne.s32 s2, $0x0  }
0x53: {  	s3 =	rddreg [dreg:$0x2];
	[bflag:$0x3] =	sbarrier.arrive $0xFFFF;
	s2 =	simm.s32 @!p0 $0x1C01  }
0x54: {  	[timem:s3], [sflag:s2] =	dma.local @!p0 [hbm:s0], s1  }
0x55: {  	s0 =	simm.s32 @!p0 $0x1  }
0x56: {  	_ =	swait.ge @!p0 [sflag:s0], s1  }
0x57: {  	s1 =	ssub.s32 @!p0 $0x0, s1;
	[sflag:s0] =	ssyncset.done @!p0 $0x0  }
0x58: {  	[sflag:s0] =	ssyncadd.s32 @!p0 s1  }
0x59: {  	[bflag:$0x3] =	sbarrier.arrive $0xFFFF  }
0x5a: {  	_ =	shalt  }

</sc_bundles>
